<compile_context>
chip_gen: v7x
topology: tpu7x:2x2x1
jax: 0.10.2.dev20260603
libtpu: 0.0.44.dev20260713+nightly
codegen_flags: <defaults>
</compile_context>

<pallas_src>
import functools

import jax
import jax.numpy as jnp
from jax import lax
from jax.experimental import pallas as pl
from jax.experimental.pallas import tpu as pltpu
from jax.experimental.pallas import tpu_sc as plsc

B, N, NPOINT, NSAMPLE = 4, 8192, 2048, 32
RADIUS = 0.2
C_IN, C_OUT, MAP2 = 64, 64, 16
NEG = 0.2
R_TOT = B * NPOINT * NSAMPLE
S_TOT = B * NPOINT

_PREC = jax.lax.Precision.DEFAULT


def _lrelu(x):
    return jnp.where(x >= 0, x, NEG * x)



def _fps_kernel(x_ref, y_ref, z_ref, out_ref):
    xb = x_ref[0]
    yb = y_ref[0]
    zb = z_ref[0]
    fi = (lax.broadcasted_iota(jnp.int32, (64, 128), 0) * 128
          + lax.broadcasted_iota(jnp.int32, (64, 128), 1))
    fi16 = (lax.broadcasted_iota(jnp.int32, (16, 128), 0) * 128
            + lax.broadcasted_iota(jnp.int32, (16, 128), 1))

    def body(i, carry):
        dist, far, acc = carry
        sel = fi == far
        cx = jnp.sum(jnp.where(sel, xb, 0.0), keepdims=True)
        cy = jnp.sum(jnp.where(sel, yb, 0.0), keepdims=True)
        cz = jnp.sum(jnp.where(sel, zb, 0.0), keepdims=True)
        d = (xb - cx) ** 2 + (yb - cy) ** 2 + (zb - cz) ** 2
        dist = jnp.minimum(dist, d)
        acc = jnp.where(fi16 == i, far, acc)
        m = jnp.max(dist, keepdims=True)
        nxt = jnp.min(jnp.where(dist == m, fi, N), keepdims=True)
        return dist, nxt, acc

    init = (jnp.full((64, 128), 1e10, jnp.float32),
            jnp.zeros((1, 1), jnp.int32),
            jnp.zeros((16, 128), jnp.int32))
    _, _, acc = lax.fori_loop(0, NPOINT, body, init)
    out_ref[0] = acc


def _run_fps(x, y, z):
    return pl.pallas_call(
        _fps_kernel,
        grid=(B,),
        in_specs=[pl.BlockSpec((1, 64, 128), lambda b: (b, 0, 0))] * 3,
        out_specs=pl.BlockSpec((1, 16, 128), lambda b: (b, 0, 0)),
        out_shape=jax.ShapeDtypeStruct((B, 16, 128), jnp.int32),
        compiler_params=pltpu.CompilerParams(
            dimension_semantics=("parallel",)),
    )(x, y, z)



def _sc_gather(table, idx, chunk):
    d = table.shape[1]
    info = plsc.get_sparse_core_info()
    nc, ns = info.num_cores, info.num_subcores
    nw = nc * ns
    b_tot = idx.shape[0]
    b_per_w = b_tot // nw
    n_chunks = b_per_w // chunk
    mesh = plsc.VectorSubcoreMesh(core_axis_name="c", subcore_axis_name="s")

    @functools.partial(
        pl.kernel, mesh=mesh,
        out_type=jax.ShapeDtypeStruct((b_tot, d), jnp.float32),
        scratch_types=[
            pltpu.VMEM((chunk,), jnp.int32),
            pltpu.VMEM((chunk, d), jnp.float32),
            pltpu.SemaphoreType.DMA,
        ],
    )
    def k(table_hbm, idx_hbm, out_hbm, idx_v, rows_v, sem):
        wid = lax.axis_index("s") * nc + lax.axis_index("c")
        base = wid * b_per_w

        def body(i, _):
            off = base + i * chunk
            pltpu.sync_copy(idx_hbm.at[pl.ds(off, chunk)], idx_v)
            pltpu.async_copy(table_hbm.at[idx_v], rows_v, sem).wait()
            pltpu.sync_copy(rows_v, out_hbm.at[pl.ds(off, chunk)])
            return 0

        lax.fori_loop(0, n_chunks, body, 0)

    return k(table, idx)



_CB = 256


def _ballq_kernel(new_ref, xyz_ref, out_ref):
    nb = new_ref[0]
    pts = xyz_ref[0]
    cx = nb[:, 0:1]
    cy = nb[:, 1:2]
    cz = nb[:, 2:3]
    px = pts[0:1, :]
    py = pts[1:2, :]
    pz = pts[2:3, :]
    sq = (cx - px) ** 2 + (cy - py) ** 2 + (cz - pz) ** 2
    ci = lax.broadcasted_iota(jnp.int32, (_CB, N), 1)
    r2 = jnp.float32(RADIUS * RADIUS)
    masked = jnp.where(sq <= r2, ci, N)
    ci32 = lax.broadcasted_iota(jnp.int32, (_CB, NSAMPLE), 1)

    def body(k, carry):
        masked, acc = carry
        v = jnp.min(masked, axis=1, keepdims=True)
        acc = jnp.where(ci32 == k, v, acc)
        masked = jnp.where(masked == v, N, masked)
        return masked, acc

    _, acc = lax.fori_loop(0, NSAMPLE, body,
                           (masked, jnp.zeros((_CB, NSAMPLE), jnp.int32)))
    first = acc[:, 0:1]
    out_ref[0] = jnp.where(acc == N, first, acc)


def _run_ballq(new_xyz, xyz_t):
    return pl.pallas_call(
        _ballq_kernel,
        grid=(B, NPOINT // _CB),
        in_specs=[
            pl.BlockSpec((1, _CB, 3), lambda b, i: (b, i, 0)),
            pl.BlockSpec((1, 3, N), lambda b, i: (b, 0, 0)),
        ],
        out_specs=pl.BlockSpec((1, _CB, NSAMPLE), lambda b, i: (b, i, 0)),
        out_shape=jax.ShapeDtypeStruct((B, NPOINT, NSAMPLE), jnp.int32),
        compiler_params=pltpu.CompilerParams(
            dimension_semantics=("parallel", "parallel")),
    )(new_xyz, xyz_t)



_RB = 8192
_SB = _RB // NSAMPLE
_NBLK = R_TOT // _RB


def _psum_rows(h, c):
    s = jnp.sum(h, axis=0, keepdims=True)
    ss = jnp.sum(h * h, axis=0, keepdims=True)
    ri = lax.broadcasted_iota(jnp.int32, (8, c), 0)
    return jnp.where(ri == 0, s, jnp.where(ri == 1, ss, 0.0))


def _stage_a_kernel(gx_ref, new_ref, w_ref, h_ref, ps_ref):
    gx = gx_ref[...]
    nw = new_ref[...]
    rel = (gx.reshape(_SB, NSAMPLE, 16) - nw.reshape(_SB, 1, 16))
    rel = rel.reshape(_RB, 16)
    h = jnp.dot(rel, w_ref[...], preferred_element_type=jnp.float32,
                precision=_PREC)
    h_ref[...] = h
    ps_ref[...] = _psum_rows(h, 8)


def _stage_mid_kernel(h_ref, sc_ref, sh_ref, w_ref, o_ref, ps_ref):
    h = _lrelu(h_ref[...] * sc_ref[...] + sh_ref[...])
    o = jnp.dot(h, w_ref[...], preferred_element_type=jnp.float32,
                precision=_PREC)
    o_ref[...] = o
    ps_ref[...] = _psum_rows(o, o.shape[1])


def _stage_d_kernel(h_ref, sc_ref, sh_ref, wo_ref, bo_ref, gf_ref, wp_ref,
                    y_ref, ps_ref):
    h = _lrelu(h_ref[...] * sc_ref[...] + sh_ref[...])
    pw = jnp.dot(h, wo_ref[...], preferred_element_type=jnp.float32,
                 precision=_PREC) + bo_ref[...]
    pw2 = pw * pw
    s1 = jnp.sqrt(jnp.maximum(jnp.sum(pw2, axis=1, keepdims=True), 1e-8))
    pw = pw / s1
    pw3 = pw.reshape(_SB, NSAMPLE, MAP2)
    t = jnp.sum(pw2.reshape(_SB, NSAMPLE, MAP2), axis=1, keepdims=True)
    s2 = jnp.maximum(jnp.sqrt(jnp.maximum(t, 1e-8)), 1.0)
    pw3 = pw3 / s2
    gf3 = gf_ref[...].reshape(_SB, NSAMPLE, C_IN)
    acc = lax.dot_general(pw3, gf3, (((1,), (1,)), ((0,), (0,))),
                          preferred_element_type=jnp.float32,
                          precision=_PREC)
    proj = _lrelu(acc)
    y = jnp.zeros((_SB, C_OUT), jnp.float32)
    for k in range(MAP2):
        y = y + jnp.dot(proj[:, k, :], wp_ref[k],
                        preferred_element_type=jnp.float32, precision=_PREC)
    y_ref[...] = y
    ps_ref[...] = _psum_rows(y, C_OUT)


def _stage_e_kernel(y_ref, sc_ref, sh_ref, o_ref):
    o_ref[...] = _lrelu(y_ref[...] * sc_ref[...] + sh_ref[...])


def _bcast_spec(c):
    return pl.BlockSpec((1, c), lambda i: (0, 0))


def _run_stage_a(gx_rows, new_rows, w1p):
    return pl.pallas_call(
        _stage_a_kernel,
        grid=(_NBLK,),
        in_specs=[
            pl.BlockSpec((_RB, 16), lambda i: (i, 0)),
            pl.BlockSpec((_SB, 16), lambda i: (i, 0)),
            pl.BlockSpec((16, 8), lambda i: (0, 0)),
        ],
        out_specs=[
            pl.BlockSpec((_RB, 8), lambda i: (i, 0)),
            pl.BlockSpec((8, 8), lambda i: (i, 0)),
        ],
        out_shape=[
            jax.ShapeDtypeStruct((R_TOT, 8), jnp.float32),
            jax.ShapeDtypeStruct((_NBLK * 8, 8), jnp.float32),
        ],
    )(gx_rows, new_rows, w1p)


def _run_stage_mid(h_rows, scale, shift, w_t):
    cin = h_rows.shape[1]
    cout = w_t.shape[1]
    return pl.pallas_call(
        _stage_mid_kernel,
        grid=(_NBLK,),
        in_specs=[
            pl.BlockSpec((_RB, cin), lambda i: (i, 0)),
            _bcast_spec(cin),
            _bcast_spec(cin),
            pl.BlockSpec((cin, cout), lambda i: (0, 0)),
        ],
        out_specs=[
            pl.BlockSpec((_RB, cout), lambda i: (i, 0)),
            pl.BlockSpec((8, cout), lambda i: (i, 0)),
        ],
        out_shape=[
            jax.ShapeDtypeStruct((R_TOT, cout), jnp.float32),
            jax.ShapeDtypeStruct((_NBLK * 8, cout), jnp.float32),
        ],
    )(h_rows, scale, shift, w_t)


def _run_stage_d(h_rows, scale, shift, w_out_t, b_out, gf_rows, wproj_t):
    return pl.pallas_call(
        _stage_d_kernel,
        grid=(_NBLK,),
        in_specs=[
            pl.BlockSpec((_RB, MAP2), lambda i: (i, 0)),
            _bcast_spec(MAP2),
            _bcast_spec(MAP2),
            pl.BlockSpec((MAP2, MAP2), lambda i: (0, 0)),
            _bcast_spec(MAP2),
            pl.BlockSpec((_RB, C_IN), lambda i: (i, 0)),
            pl.BlockSpec((MAP2, C_IN, C_OUT), lambda i: (0, 0, 0)),
        ],
        out_specs=[
            pl.BlockSpec((_SB, C_OUT), lambda i: (i, 0)),
            pl.BlockSpec((8, C_OUT), lambda i: (i, 0)),
        ],
        out_shape=[
            jax.ShapeDtypeStruct((S_TOT, C_OUT), jnp.float32),
            jax.ShapeDtypeStruct((_NBLK * 8, C_OUT), jnp.float32),
        ],
    )(h_rows, scale, shift, w_out_t, b_out, gf_rows, wproj_t)


def _run_stage_e(y_rows, scale, shift):
    return pl.pallas_call(
        _stage_e_kernel,
        grid=(1,),
        in_specs=[
            pl.BlockSpec((S_TOT, C_OUT), lambda i: (0, 0)),
            _bcast_spec(C_OUT),
            _bcast_spec(C_OUT),
        ],
        out_specs=pl.BlockSpec((S_TOT, C_OUT), lambda i: (0, 0)),
        out_shape=jax.ShapeDtypeStruct((S_TOT, C_OUT), jnp.float32),
    )(y_rows, scale, shift)


def _stats(psum, count, g, b):
    r = psum.reshape(-1, 8, psum.shape[-1])
    s = jnp.sum(r[:, 0], axis=0)
    ss = jnp.sum(r[:, 1], axis=0)
    m = s / count
    v = ss / count - m * m
    scale = g / jnp.sqrt(v + 1e-5)
    shift = b - m * scale
    return scale.reshape(1, -1), shift.reshape(1, -1)



def kernel(xyz, features, w_pn1, g_pn1, b_pn1, w_pn2, g_pn2, b_pn2,
           w_wts1, g_wts1, b_wts1, w_out, b_out, w_proj, g_proj, b_proj):
    x = xyz[:, :, 0].reshape(B, 64, 128)
    y = xyz[:, :, 1].reshape(B, 64, 128)
    z = xyz[:, :, 2].reshape(B, 64, 128)
    xyz_t = jnp.transpose(xyz, (0, 2, 1))
    xyz_pad = jnp.zeros((B * N, 64), jnp.float32).at[:, :3].set(
        xyz.reshape(B * N, 3))
    ft_rows = jnp.transpose(features, (0, 2, 1)).reshape(B * N, C_IN)
    comb = jnp.concatenate([xyz_pad, ft_rows], axis=1)
    boff = (jnp.arange(B, dtype=jnp.int32) * N)

    idx_fps = _run_fps(x, y, z).reshape(B, NPOINT)

    flat_fps = (idx_fps + boff[:, None]).reshape(-1)
    new_comb = _sc_gather(comb, flat_fps, 256)
    new_rows = new_comb[:, :16]
    new_xyz = new_comb[:, :3].reshape(B, NPOINT, 3)

    gidx = _run_ballq(new_xyz, xyz_t)

    flat_g = (gidx + boff[:, None, None]).reshape(-1)
    g_comb = _sc_gather(comb, flat_g, 512)
    gx_rows = g_comb[:, :16]
    gf_rows = g_comb[:, 64:]

    w1p = jnp.zeros((16, 8), jnp.float32).at[:3, :].set(jnp.transpose(w_pn1))
    h1, ps1 = _run_stage_a(gx_rows, new_rows, w1p)
    sc1, sh1 = _stats(ps1, R_TOT, g_pn1, b_pn1)
    h2, ps2 = _run_stage_mid(h1, sc1, sh1, jnp.transpose(w_pn2))
    sc2, sh2 = _stats(ps2, R_TOT, g_pn2, b_pn2)
    h3, ps3 = _run_stage_mid(h2, sc2, sh2, jnp.transpose(w_wts1))
    sc3, sh3 = _stats(ps3, R_TOT, g_wts1, b_wts1)
    wproj_t = jnp.transpose(w_proj, (2, 1, 0))
    y_raw, ps4 = _run_stage_d(h3, sc3, sh3, jnp.transpose(w_out),
                              b_out.reshape(1, MAP2), gf_rows, wproj_t)
    sc4, sh4 = _stats(ps4, S_TOT, g_proj, b_proj)
    y_act = _run_stage_e(y_raw, sc4, sh4)

    y_out = jnp.transpose(y_act.reshape(B, NPOINT, C_OUT), (0, 2, 1))
    return new_xyz, y_out

# --- scband reference (transcript-rebuilt; emitter-appended) ---
"""Pipeline reference for scband-fpconv4x4-base-block-86517821212883 (READ-ONLY COPY).

The authoritative reference and input builder live on the scoring server;
editing this copy changes nothing except your own understanding.
"""

import jax, jax.numpy as jnp
import numpy as np

B, N, NPOINT, NSAMPLE = 4, 8192, 2048, 32
RADIUS = 0.2
C_IN, C_OUT, MAP2 = 64, 64, 16
NEG = 0.2


def _lrelu(x):
    return jnp.where(x >= 0, x, NEG * x)


def _bn(x, g, b):
    axes = (0,) + tuple(range(2, x.ndim))
    m = jnp.mean(x, axis=axes, keepdims=True)
    v = jnp.var(x, axis=axes, keepdims=True)
    sh = (1, -1) + (1,) * (x.ndim - 2)
    return g.reshape(sh) * (x - m) / jnp.sqrt(v + 1e-5) + b.reshape(sh)


def _fps(xyz, npoint):
    xyz = jax.lax.stop_gradient(xyz)
    b, n, _ = xyz.shape
    def step(carry, _):
        dist, far = carry
        centroid = jnp.take_along_axis(xyz, far[:, None, None], axis=1)
        d = jnp.sum((xyz - centroid) ** 2, axis=-1)
        dist = jnp.minimum(dist, d)
        nxt = jnp.argmax(dist, axis=-1).astype(jnp.int32)
        return (dist, nxt), far
    init = (jnp.full((b, n), 1e10, jnp.float32), jnp.zeros((b,), jnp.int32))
    _, idxs = jax.lax.scan(step, init, None, length=npoint)
    return jnp.transpose(idxs)


def _ball_query(radius, nsample, xyz, new_xyz):
    n = xyz.shape[1]
    sq = jnp.sum((new_xyz[:, :, None, :] - xyz[:, None, :, :]) ** 2, axis=-1)
    ar = jnp.arange(n, dtype=jnp.int32)
    masked = jnp.where(sq <= radius * radius, ar[None, None, :], n)
    vals = -jax.lax.top_k(-masked, nsample)[0]
    first = vals[:, :, :1]
    return jnp.where(vals == n, first, vals)


def setup_inputs(seed: int = 0):
    key = jax.random.key(seed)
    ks = jax.random.split(key, 8)
    xyz = jax.random.uniform(ks[0], (B, N, 3), dtype=jnp.float32)
    features = jax.random.normal(ks[1], (B, C_IN, N), dtype=jnp.float32)
    def w(k, shape, fan_in):
        return jax.random.normal(k, shape, jnp.float32) * (1.0 / np.sqrt(fan_in))
    return {
        'xyz': xyz, 'features': features,
        'w_pn1': w(ks[2], (8, 3), 3), 'g_pn1': jnp.ones(8), 'b_pn1': jnp.zeros(8),
        'w_pn2': w(ks[3], (16, 8), 8), 'g_pn2': jnp.ones(16), 'b_pn2': jnp.zeros(16),
        'w_wts1': w(ks[4], (16, 16), 16), 'g_wts1': jnp.ones(16), 'b_wts1': jnp.zeros(16),
        'w_out': w(ks[5], (MAP2, 16), 16), 'b_out': jnp.zeros(MAP2),
        'w_proj': w(ks[6], (C_OUT, C_IN, MAP2), C_IN * MAP2),
        'g_proj': jnp.ones(C_OUT), 'b_proj': jnp.zeros(C_OUT),
    }


def reference(xyz, features, w_pn1, g_pn1, b_pn1, w_pn2, g_pn2, b_pn2,
              w_wts1, g_wts1, b_wts1, w_out, b_out, w_proj, g_proj, b_proj):
    b = xyz.shape[0]
    idx_fps = _fps(xyz, NPOINT)
    new_xyz = xyz[jnp.arange(b)[:, None], idx_fps]
    gidx = _ball_query(RADIUS, NSAMPLE, xyz, new_xyz)
    bi = jnp.arange(b)[:, None, None]
    grouped_xyz = xyz[bi, gidx] - new_xyz[:, :, None, :]
    gx = jnp.transpose(grouped_xyz, (0, 3, 1, 2))
    ft = jnp.transpose(features, (0, 2, 1))
    grouped_feats = jnp.transpose(ft[bi, gidx], (0, 3, 1, 2))
    h = _lrelu(_bn(jnp.einsum('oc,bcsn->bosn', w_pn1, gx), g_pn1, b_pn1))
    h = _lrelu(_bn(jnp.einsum('oc,bcsn->bosn', w_pn2, h), g_pn2, b_pn2))
    h = _lrelu(_bn(jnp.einsum('oc,bcsn->bosn', w_wts1, h), g_wts1, b_wts1))
    pw = jnp.einsum('oc,bcsn->bosn', w_out, h) + b_out[None, :, None, None]
    pw2 = pw ** 2
    s1 = jnp.sqrt(jnp.maximum(jnp.sum(pw2, axis=1, keepdims=True), 1e-8))
    pw = pw / s1
    s2 = jnp.maximum(jnp.sqrt(jnp.maximum(jnp.sum(pw2, axis=3, keepdims=True), 1e-8)), 1.0)
    pw = pw / s2
    pw = jnp.transpose(pw, (0, 2, 1, 3))
    gf = jnp.transpose(grouped_feats, (0, 2, 3, 1))
    proj = _lrelu(jnp.matmul(pw, gf))
    x = jnp.transpose(proj, (0, 3, 2, 1))
    y = jnp.einsum('ock,bcks->bos', w_proj, x)
    y = _lrelu(_bn(y, g_proj, b_proj))
    return new_xyz, y

if __name__ == "__main__":
    import jax
    _d = setup_inputs()
    print(jax.jit(kernel)(*tuple(_d.values())))

</pallas_src>

<mosaic_0001>
#map = affine_map<(d0, d1) -> (0, 0)>
#map1 = affine_map<(d0, d1) -> (0)>
module attributes {stable_mosaic.version = 14 : i64} {
  func.func @k(%arg0: i32, %arg1: i32, %arg2: memref<32768x128xf32, #tpu.memory_space<hbm>>, %arg3: memref<8192xi32, #tpu.memory_space<hbm>>, %arg4: memref<8192x128xf32, #tpu.memory_space<hbm>>, %arg5: memref<256xi32, #tpu.memory_space<vmem>>, %arg6: memref<256x128xf32, #tpu.memory_space<vmem>>, %arg7: memref<!tpu.dma_semaphore, #tpu.memory_space<semaphore_mem>>) attributes {dimension_semantics = [#tpu.dimension_semantics<core_parallel>, #tpu.dimension_semantics<subcore_parallel>], iteration_bounds = array<i64: 2, 16>, scalar_prefetch = 0 : i64, scratch_operands = 3 : i64, tpu.core_type = #tpu.core_type<sc_vector_subcore>, window_params = [{transform_indices = #map}, {transform_indices = #map1}, {transform_indices = #map}]} {
    %mul3A = arith.constant 2 : i32
    %mul3A_0 = arith.muli %arg1, %mul3A : i32
    %add3A = arith.addi %mul3A_0, %arg0 : i32
    %mul3A_1 = arith.constant 256 : i32
    %mul3A_2 = arith.muli %add3A, %mul3A_1 : i32
    %scan3A = arith.constant 0 : i32
    %scan3A_3 = arith.constant 0 : i32
    %mul3A_4 = arith.constant 256 : i32
    %mul3A_5 = arith.muli %scan3A_3, %mul3A_4 : i32
    %add3A_6 = arith.addi %mul3A_2, %mul3A_5 : i32
    "tpu.region"() ({
      %run_scoped3A = tpu.sem_alloc : memref<!tpu.dma_semaphore, #tpu.memory_space<semaphore_mem>>
      %dma_start3A_13 = tpu.memref_slice %arg3[%add3A_6] : memref<8192xi32, #tpu.memory_space<hbm>> -> memref<256xi32, #tpu.memory_space<hbm>>
      %dma_start3A_14 = tpu.memref_slice %arg3[%add3A_6] : memref<8192xi32, #tpu.memory_space<hbm>> -> memref<256xi32, #tpu.memory_space<hbm>>
      tpu.enqueue_dma source(%dma_start3A_14 : memref<256xi32, #tpu.memory_space<hbm>>) target(%arg5 : memref<256xi32, #tpu.memory_space<vmem>>) target_semaphore(%run_scoped3A : memref<!tpu.dma_semaphore, #tpu.memory_space<semaphore_mem>>)
      %dma_wait3A_15 = tpu.memref_slice %arg3[%add3A_6] : memref<8192xi32, #tpu.memory_space<hbm>> -> memref<256xi32, #tpu.memory_space<hbm>>
      %dma_wait3A_16 = tpu.memref_slice %arg3[%add3A_6] : memref<8192xi32, #tpu.memory_space<hbm>> -> memref<256xi32, #tpu.memory_space<hbm>>
      tpu.wait_dma2 semaphore(%run_scoped3A : memref<!tpu.dma_semaphore, #tpu.memory_space<semaphore_mem>>) src(%dma_wait3A_16 : memref<256xi32, #tpu.memory_space<hbm>>) dst(%arg5 : memref<256xi32, #tpu.memory_space<vmem>>)
      tpu.yield
    }) : () -> ()
    %dma_start3A = arith.constant 0 : i32
    %dma_start3A_7 = arith.constant 0 : i32
    %dma_start3A_8 = tpu.memref_slice %arg2[%dma_start3A, %dma_start3A_7] : memref<32768x128xf32, #tpu.memory_space<hbm>> -> memref<32768x128xf32, #tpu.memory_space<hbm>>
    tpu.enqueue_indirect_dma source(%dma_start3A_8 : memref<32768x128xf32, #tpu.memory_space<hbm>>) target(%arg6 : memref<256x128xf32, #tpu.memory_space<vmem>>) offsets(%arg5 : memref<256xi32, #tpu.memory_space<vmem>>) semaphore(%arg7 : memref<!tpu.dma_semaphore, #tpu.memory_space<semaphore_mem>>)
    %dma_wait3A = arith.constant 0 : i32
    %dma_wait3A_9 = arith.constant 0 : i32
    %dma_wait3A_10 = tpu.memref_slice %arg2[%dma_wait3A, %dma_wait3A_9] : memref<32768x128xf32, #tpu.memory_space<hbm>> -> memref<32768x128xf32, #tpu.memory_space<hbm>>
    tpu.wait_indirect_dma semaphore(%arg7 : memref<!tpu.dma_semaphore, #tpu.memory_space<semaphore_mem>>) src(%dma_wait3A_10 : memref<32768x128xf32, #tpu.memory_space<hbm>>) dst(%arg6 : memref<256x128xf32, #tpu.memory_space<vmem>>)
    "tpu.region"() ({
      %run_scoped3A = tpu.sem_alloc : memref<!tpu.dma_semaphore, #tpu.memory_space<semaphore_mem>>
      %dma_start3A_13 = arith.constant 0 : i32
      %dma_start3A_14 = tpu.memref_slice %arg4[%add3A_6, %dma_start3A_13] : memref<8192x128xf32, #tpu.memory_space<hbm>> -> memref<256x128xf32, #tpu.memory_space<hbm>>
      %dma_start3A_15 = arith.constant 0 : i32
      %dma_start3A_16 = tpu.memref_slice %arg4[%add3A_6, %dma_start3A_15] : memref<8192x128xf32, #tpu.memory_space<hbm>> -> memref<256x128xf32, #tpu.memory_space<hbm>>
      tpu.enqueue_dma source(%arg6 : memref<256x128xf32, #tpu.memory_space<vmem>>) target(%dma_start3A_16 : memref<256x128xf32, #tpu.memory_space<hbm>>) target_semaphore(%run_scoped3A : memref<!tpu.dma_semaphore, #tpu.memory_space<semaphore_mem>>)
      %dma_wait3A_17 = arith.constant 0 : i32
      %dma_wait3A_18 = tpu.memref_slice %arg4[%add3A_6, %dma_wait3A_17] : memref<8192x128xf32, #tpu.memory_space<hbm>> -> memref<256x128xf32, #tpu.memory_space<hbm>>
      %dma_wait3A_19 = arith.constant 0 : i32
      %dma_wait3A_20 = tpu.memref_slice %arg4[%add3A_6, %dma_wait3A_19] : memref<8192x128xf32, #tpu.memory_space<hbm>> -> memref<256x128xf32, #tpu.memory_space<hbm>>
      tpu.wait_dma2 semaphore(%run_scoped3A : memref<!tpu.dma_semaphore, #tpu.memory_space<semaphore_mem>>) src(%arg6 : memref<256x128xf32, #tpu.memory_space<vmem>>) dst(%dma_wait3A_20 : memref<256x128xf32, #tpu.memory_space<hbm>>)
      tpu.yield
    }) : () -> ()
    %scan3A_11 = arith.constant 0 : i32
    %scan3A_12 = arith.constant 1 : i32
    return
  }
}

#map = affine_map<(d0, d1) -> (0, 0)>
#map1 = affine_map<(d0, d1) -> (0)>
module attributes {stable_mosaic.version = 14 : i64} {
  func.func @k(%arg0: i32, %arg1: i32, %arg2: memref<32768x128xf32, #tpu.memory_space<hbm>>, %arg3: memref<262144xi32, #tpu.memory_space<hbm>>, %arg4: memref<262144x128xf32, #tpu.memory_space<hbm>>, %arg5: memref<512xi32, #tpu.memory_space<vmem>>, %arg6: memref<512x128xf32, #tpu.memory_space<vmem>>, %arg7: memref<!tpu.dma_semaphore, #tpu.memory_space<semaphore_mem>>) attributes {dimension_semantics = [#tpu.dimension_semantics<core_parallel>, #tpu.dimension_semantics<subcore_parallel>], iteration_bounds = array<i64: 2, 16>, scalar_prefetch = 0 : i64, scratch_operands = 3 : i64, tpu.core_type = #tpu.core_type<sc_vector_subcore>, window_params = [{transform_indices = #map}, {transform_indices = #map1}, {transform_indices = #map}]} {
    %mul3A = arith.constant 2 : i32
    %mul3A_0 = arith.muli %arg1, %mul3A : i32
    %add3A = arith.addi %mul3A_0, %arg0 : i32
    %mul3A_1 = arith.constant 8192 : i32
    %mul3A_2 = arith.muli %add3A, %mul3A_1 : i32
    %scan3A = arith.constant 0 : i32
    %scan3A_3 = arith.constant 0 : i32
    %scan3A_4 = arith.constant 16 : i32
    %scan3A_5 = arith.addi %scan3A_3, %scan3A_4 : i32
    %scan3A_6 = arith.constant 1 : i32
    %scan3A_7 = scf.for %scan3A_9 = %scan3A_3 to %scan3A_5 step %scan3A_6 iter_args(%scan3A_10 = %scan3A) -> (i32)  : i32 {
      %mul3A_11 = arith.constant 512 : i32
      %mul3A_12 = arith.muli %scan3A_9, %mul3A_11 : i32
      %add3A_13 = arith.addi %mul3A_2, %mul3A_12 : i32
      "tpu.region"() ({
        %run_scoped3A = tpu.sem_alloc : memref<!tpu.dma_semaphore, #tpu.memory_space<semaphore_mem>>
        %dma_start3A_19 = tpu.memref_slice %arg3[%add3A_13] : memref<262144xi32, #tpu.memory_space<hbm>> -> memref<512xi32, #tpu.memory_space<hbm>>
        %dma_start3A_20 = tpu.memref_slice %arg3[%add3A_13] : memref<262144xi32, #tpu.memory_space<hbm>> -> memref<512xi32, #tpu.memory_space<hbm>>
        tpu.enqueue_dma source(%dma_start3A_20 : memref<512xi32, #tpu.memory_space<hbm>>) target(%arg5 : memref<512xi32, #tpu.memory_space<vmem>>) target_semaphore(%run_scoped3A : memref<!tpu.dma_semaphore, #tpu.memory_space<semaphore_mem>>)
        %dma_wait3A_21 = tpu.memref_slice %arg3[%add3A_13] : memref<262144xi32, #tpu.memory_space<hbm>> -> memref<512xi32, #tpu.memory_space<hbm>>
        %dma_wait3A_22 = tpu.memref_slice %arg3[%add3A_13] : memref<262144xi32, #tpu.memory_space<hbm>> -> memref<512xi32, #tpu.memory_space<hbm>>
        tpu.wait_dma2 semaphore(%run_scoped3A : memref<!tpu.dma_semaphore, #tpu.memory_space<semaphore_mem>>) src(%dma_wait3A_22 : memref<512xi32, #tpu.memory_space<hbm>>) dst(%arg5 : memref<512xi32, #tpu.memory_space<vmem>>)
        tpu.yield
      }) : () -> ()
      %dma_start3A = arith.constant 0 : i32
      %dma_start3A_14 = arith.constant 0 : i32
      %dma_start3A_15 = tpu.memref_slice %arg2[%dma_start3A, %dma_start3A_14] : memref<32768x128xf32, #tpu.memory_space<hbm>> -> memref<32768x128xf32, #tpu.memory_space<hbm>>
      tpu.enqueue_indirect_dma source(%dma_start3A_15 : memref<32768x128xf32, #tpu.memory_space<hbm>>) target(%arg6 : memref<512x128xf32, #tpu.memory_space<vmem>>) offsets(%arg5 : memref<512xi32, #tpu.memory_space<vmem>>) semaphore(%arg7 : memref<!tpu.dma_semaphore, #tpu.memory_space<semaphore_mem>>)
      %dma_wait3A = arith.constant 0 : i32
      %dma_wait3A_16 = arith.constant 0 : i32
      %dma_wait3A_17 = tpu.memref_slice %arg2[%dma_wait3A, %dma_wait3A_16] : memref<32768x128xf32, #tpu.memory_space<hbm>> -> memref<32768x128xf32, #tpu.memory_space<hbm>>
      tpu.wait_indirect_dma semaphore(%arg7 : memref<!tpu.dma_semaphore, #tpu.memory_space<semaphore_mem>>) src(%dma_wait3A_17 : memref<32768x128xf32, #tpu.memory_space<hbm>>) dst(%arg6 : memref<512x128xf32, #tpu.memory_space<vmem>>)
      "tpu.region"() ({
        %run_scoped3A = tpu.sem_alloc : memref<!tpu.dma_semaphore, #tpu.memory_space<semaphore_mem>>
        %dma_start3A_19 = arith.constant 0 : i32
        %dma_start3A_20 = tpu.memref_slice %arg4[%add3A_13, %dma_start3A_19] : memref<262144x128xf32, #tpu.memory_space<hbm>> -> memref<512x128xf32, #tpu.memory_space<hbm>>
        %dma_start3A_21 = arith.constant 0 : i32
        %dma_start3A_22 = tpu.memref_slice %arg4[%add3A_13, %dma_start3A_21] : memref<262144x128xf32, #tpu.memory_space<hbm>> -> memref<512x128xf32, #tpu.memory_space<hbm>>
        tpu.enqueue_dma source(%arg6 : memref<512x128xf32, #tpu.memory_space<vmem>>) target(%dma_start3A_22 : memref<512x128xf32, #tpu.memory_space<hbm>>) target_semaphore(%run_scoped3A : memref<!tpu.dma_semaphore, #tpu.memory_space<semaphore_mem>>)
        %dma_wait3A_23 = arith.constant 0 : i32
        %dma_wait3A_24 = tpu.memref_slice %arg4[%add3A_13, %dma_wait3A_23] : memref<262144x128xf32, #tpu.memory_space<hbm>> -> memref<512x128xf32, #tpu.memory_space<hbm>>
        %dma_wait3A_25 = arith.constant 0 : i32
        %dma_wait3A_26 = tpu.memref_slice %arg4[%add3A_13, %dma_wait3A_25] : memref<262144x128xf32, #tpu.memory_space<hbm>> -> memref<512x128xf32, #tpu.memory_space<hbm>>
        tpu.wait_dma2 semaphore(%run_scoped3A : memref<!tpu.dma_semaphore, #tpu.memory_space<semaphore_mem>>) src(%arg6 : memref<512x128xf32, #tpu.memory_space<vmem>>) dst(%dma_wait3A_26 : memref<512x128xf32, #tpu.memory_space<hbm>>)
        tpu.yield
      }) : () -> ()
      %scan3A_18 = arith.constant 0 : i32
      scf.yield %scan3A_18 : i32
    }
    %scan3A_8 = arith.constant 16 : i32
    return
  }
}

module attributes {stable_mosaic.version = 14 : i64} {
  func.func @_fps_kernel(%arg0: i32, %arg1: memref<1x64x128xf32, #tpu.memory_space<vmem>>, %arg2: memref<1x64x128xf32, #tpu.memory_space<vmem>>, %arg3: memref<1x64x128xf32, #tpu.memory_space<vmem>>, %arg4: memref<1x16x128xi32, #tpu.memory_space<vmem>>) attributes {dimension_semantics = [#tpu.dimension_semantics<parallel>], iteration_bounds = array<i64: 4>, scalar_prefetch = 0 : i64, scratch_operands = 0 : i64, tpu.core_type = #tpu.core_type<tc>, window_params = [{transform_indices = @transform_0, window_bounds = array<i64: 1, 64, 128>}, {transform_indices = @transform_1, window_bounds = array<i64: 1, 64, 128>}, {transform_indices = @transform_2, window_bounds = array<i64: 1, 64, 128>}, {transform_indices = @transform_3, window_bounds = array<i64: 1, 16, 128>}]} {
    %get3A = arith.constant 0 : index
    %get3A_0 = arith.constant 0 : index
    %get3A_1 = arith.constant 0 : index
    %get3A_2 = vector.load %arg1[%get3A, %get3A_0, %get3A_1] : memref<1x64x128xf32, #tpu.memory_space<vmem>>, vector<1x64x128xf32>
    %get3A_3 = vector.shape_cast %get3A_2 : vector<1x64x128xf32> to vector<64x128xf32>
    %get3A_4 = arith.constant 0 : index
    %get3A_5 = arith.constant 0 : index
    %get3A_6 = arith.constant 0 : index
    %get3A_7 = vector.load %arg2[%get3A_4, %get3A_5, %get3A_6] : memref<1x64x128xf32, #tpu.memory_space<vmem>>, vector<1x64x128xf32>
    %get3A_8 = vector.shape_cast %get3A_7 : vector<1x64x128xf32> to vector<64x128xf32>
    %get3A_9 = arith.constant 0 : index
    %get3A_10 = arith.constant 0 : index
    %get3A_11 = arith.constant 0 : index
    %get3A_12 = vector.load %arg3[%get3A_9, %get3A_10, %get3A_11] : memref<1x64x128xf32, #tpu.memory_space<vmem>>, vector<1x64x128xf32>
    %get3A_13 = vector.shape_cast %get3A_12 : vector<1x64x128xf32> to vector<64x128xf32>
    %iota3A = tpu.iota {dimensions = array<i32: 0>} : vector<64x128xi32>
    %mul3A = arith.constant 128 : i32
    %mul3A_14 = vector.broadcast %mul3A : i32 to vector<64x128xi32>
    %mul3A_15 = arith.muli %iota3A, %mul3A_14 : vector<64x128xi32>
    %iota3A_16 = tpu.iota {dimensions = array<i32: 1>} : vector<64x128xi32>
    %add3A = arith.addi %mul3A_15, %iota3A_16 : vector<64x128xi32>
    %iota3A_17 = tpu.iota {dimensions = array<i32: 0>} : vector<16x128xi32>
    %mul3A_18 = arith.constant 128 : i32
    %mul3A_19 = vector.broadcast %mul3A_18 : i32 to vector<16x128xi32>
    %mul3A_20 = arith.muli %iota3A_17, %mul3A_19 : vector<16x128xi32>
    %iota3A_21 = tpu.iota {dimensions = array<i32: 1>} : vector<16x128xi32>
    %add3A_22 = arith.addi %mul3A_20, %iota3A_21 : vector<16x128xi32>
    %broadcast_in_dim3A = arith.constant 1.000000e+10 : f32
    %broadcast_in_dim3A_23 = vector.broadcast %broadcast_in_dim3A : f32 to vector<64x128xf32>
    %broadcast_in_dim3A_24 = arith.constant 0 : i32
    %broadcast_in_dim3A_25 = vector.broadcast %broadcast_in_dim3A_24 : i32 to vector<1x1xi32>
    %broadcast_in_dim3A_26 = arith.constant 0 : i32
    %broadcast_in_dim3A_27 = vector.broadcast %broadcast_in_dim3A_26 : i32 to vector<16x128xi32>
    %scan3A = arith.constant 0 : i32
    %scan3A_28 = arith.constant 2048 : i32
    %scan3A_29 = arith.addi %scan3A, %scan3A_28 : i32
    %scan3A_30 = arith.constant 1 : i32
    %scan3A_31:3 = scf.for %scan3A_38 = %scan3A to %scan3A_29 step %scan3A_30 iter_args(%scan3A_39 = %broadcast_in_dim3A_23, %scan3A_40 = %broadcast_in_dim3A_25, %scan3A_41 = %broadcast_in_dim3A_27) -> (vector<64x128xf32>, vector<1x1xi32>, vector<16x128xi32>)  : i32 {
      %eq3A = vector.broadcast %scan3A_40 : vector<1x1xi32> to vector<64x128xi32>
      %eq3A_42 = arith.cmpi eq, %add3A, %eq3A : vector<64x128xi32>
      %jit3A = arith.constant 0.000000e+00 : f32
      %broadcast_in_dim3A_43 = vector.broadcast %jit3A : f32 to vector<64x128xf32>
      %select_n3A = arith.select %eq3A_42, %get3A_3, %broadcast_in_dim3A_43 : vector<64x128xi1>, vector<64x128xf32>
      %reduce_sum3A = vector.shape_cast %select_n3A : vector<64x128xf32> to vector<1x64x128xf32>
      %reduce_sum3A_44 = arith.constant dense<0.000000e+00> : vector<1xf32>
      %reduce_sum3A_45 = vector.multi_reduction <add>, %reduce_sum3A, %reduce_sum3A_44 [1, 2] : vector<1x64x128xf32> to vector<1xf32>
      %reduce_sum3A_46 = vector.shape_cast %reduce_sum3A_45 : vector<1xf32> to vector<1x1x1xf32>
      %reduce_sum3A_47 = vector.extract %reduce_sum3A_46[0, 0, 0] : f32 from vector<1x1x1xf32>
      %broadcast_in_dim3A_48 = vector.broadcast %reduce_sum3A_47 : f32 to vector<1x1xf32>
      %jit3A_49 = arith.constant 0.000000e+00 : f32
      %broadcast_in_dim3A_50 = vector.broadcast %jit3A_49 : f32 to vector<64x128xf32>
      %select_n3A_51 = arith.select %eq3A_42, %get3A_8, %broadcast_in_dim3A_50 : vector<64x128xi1>, vector<64x128xf32>
      %reduce_sum3A_52 = vector.shape_cast %select_n3A_51 : vector<64x128xf32> to vector<1x64x128xf32>
      %reduce_sum3A_53 = arith.constant dense<0.000000e+00> : vector<1xf32>
      %reduce_sum3A_54 = vector.multi_reduction <add>, %reduce_sum3A_52, %reduce_sum3A_53 [1, 2] : vector<1x64x128xf32> to vector<1xf32>
      %reduce_sum3A_55 = vector.shape_cast %reduce_sum3A_54 : vector<1xf32> to vector<1x1x1xf32>
      %reduce_sum3A_56 = vector.extract %reduce_sum3A_55[0, 0, 0] : f32 from vector<1x1x1xf32>
      %broadcast_in_dim3A_57 = vector.broadcast %reduce_sum3A_56 : f32 to vector<1x1xf32>
      %jit3A_58 = arith.constant 0.000000e+00 : f32
      %broadcast_in_dim3A_59 = vector.broadcast %jit3A_58 : f32 to vector<64x128xf32>
      %select_n3A_60 = arith.select %eq3A_42, %get3A_13, %broadcast_in_dim3A_59 : vector<64x128xi1>, vector<64x128xf32>
      %reduce_sum3A_61 = vector.shape_cast %select_n3A_60 : vector<64x128xf32> to vector<1x64x128xf32>
      %reduce_sum3A_62 = arith.constant dense<0.000000e+00> : vector<1xf32>
      %reduce_sum3A_63 = vector.multi_reduction <add>, %reduce_sum3A_61, %reduce_sum3A_62 [1, 2] : vector<1x64x128xf32> to vector<1xf32>
      %reduce_sum3A_64 = vector.shape_cast %reduce_sum3A_63 : vector<1xf32> to vector<1x1x1xf32>
      %reduce_sum3A_65 = vector.extract %reduce_sum3A_64[0, 0, 0] : f32 from vector<1x1x1xf32>
      %broadcast_in_dim3A_66 = vector.broadcast %reduce_sum3A_65 : f32 to vector<1x1xf32>
      %sub3A = vector.broadcast %broadcast_in_dim3A_48 : vector<1x1xf32> to vector<64x128xf32>
      %sub3A_67 = arith.subf %get3A_3, %sub3A : vector<64x128xf32>
      %integer_pow3A = arith.mulf %sub3A_67, %sub3A_67 : vector<64x128xf32>
      %sub3A_68 = vector.broadcast %broadcast_in_dim3A_57 : vector<1x1xf32> to vector<64x128xf32>
      %sub3A_69 = arith.subf %get3A_8, %sub3A_68 : vector<64x128xf32>
      %integer_pow3A_70 = arith.mulf %sub3A_69, %sub3A_69 : vector<64x128xf32>
      %add3A_71 = arith.addf %integer_pow3A, %integer_pow3A_70 : vector<64x128xf32>
      %sub3A_72 = vector.broadcast %broadcast_in_dim3A_66 : vector<1x1xf32> to vector<64x128xf32>
      %sub3A_73 = arith.subf %get3A_13, %sub3A_72 : vector<64x128xf32>
      %integer_pow3A_74 = arith.mulf %sub3A_73, %sub3A_73 : vector<64x128xf32>
      %add3A_75 = arith.addf %add3A_71, %integer_pow3A_74 : vector<64x128xf32>
      %min3A = arith.minimumf %scan3A_39, %add3A_75 : vector<64x128xf32>
      %eq3A_76 = vector.broadcast %scan3A_38 : i32 to vector<16x128xi32>
      %eq3A_77 = arith.cmpi eq, %add3A_22, %eq3A_76 : vector<16x128xi32>
      %broadcast_in_dim3A_78 = vector.shape_cast %scan3A_40 : vector<1x1xi32> to vector<1x1xi32>
      %broadcast_in_dim3A_79 = vector.broadcast %broadcast_in_dim3A_78 : vector<1x1xi32> to vector<16x128xi32>
      %select_n3A_80 = arith.select %eq3A_77, %broadcast_in_dim3A_79, %scan3A_41 : vector<16x128xi1>, vector<16x128xi32>
      %reduce_max3A = vector.shape_cast %min3A : vector<64x128xf32> to vector<1x64x128xf32>
      %reduce_max3A_81 = arith.constant dense<0xFF800000> : vector<1xf32>
      %reduce_max3A_82 = vector.multi_reduction <maximumf>, %reduce_max3A, %reduce_max3A_81 [1, 2] : vector<1x64x128xf32> to vector<1xf32>
      %reduce_max3A_83 = vector.shape_cast %reduce_max3A_82 : vector<1xf32> to vector<1x1x1xf32>
      %reduce_max3A_84 = vector.extract %reduce_max3A_83[0, 0, 0] : f32 from vector<1x1x1xf32>
      %broadcast_in_dim3A_85 = vector.broadcast %reduce_max3A_84 : f32 to vector<1x1xf32>
      %eq3A_86 = vector.broadcast %broadcast_in_dim3A_85 : vector<1x1xf32> to vector<64x128xf32>
      %eq3A_87 = arith.cmpf oeq, %min3A, %eq3A_86 : vector<64x128xf32>
      %jit3A_88 = arith.constant 8192 : i32
      %broadcast_in_dim3A_89 = vector.broadcast %jit3A_88 : i32 to vector<64x128xi32>
      %select_n3A_90 = arith.select %eq3A_87, %add3A, %broadcast_in_dim3A_89 : vector<64x128xi1>, vector<64x128xi32>
      %reduce_min3A = vector.shape_cast %select_n3A_90 : vector<64x128xi32> to vector<1x64x128xi32>
      %reduce_min3A_91 = arith.constant dense<2147483647> : vector<1xi32>
      %reduce_min3A_92 = vector.multi_reduction <minsi>, %reduce_min3A, %reduce_min3A_91 [1, 2] : vector<1x64x128xi32> to vector<1xi32>
      %reduce_min3A_93 = vector.shape_cast %reduce_min3A_92 : vector<1xi32> to vector<1x1x1xi32>
      %reduce_min3A_94 = vector.extract %reduce_min3A_93[0, 0, 0] : i32 from vector<1x1x1xi32>
      %broadcast_in_dim3A_95 = vector.broadcast %reduce_min3A_94 : i32 to vector<1x1xi32>
      scf.yield %min3A, %broadcast_in_dim3A_95, %select_n3A_80 : vector<64x128xf32>, vector<1x1xi32>, vector<16x128xi32>
    }
    %scan3A_32 = arith.constant 2048 : i32
    %swap3A = arith.constant 0 : index
    %swap3A_33 = arith.constant 0 : index
    %swap3A_34 = arith.constant 0 : index
    %swap3A_35 = vector.load %arg4[%swap3A, %swap3A_33, %swap3A_34] : memref<1x16x128xi32, #tpu.memory_space<vmem>>, vector<1x16x128xi32>
    %swap3A_36 = vector.shape_cast %swap3A_35 : vector<1x16x128xi32> to vector<16x128xi32>
    %swap3A_37 = vector.shape_cast %scan3A_31#2 : vector<16x128xi32> to vector<1x16x128xi32>
    tpu.vector_store %arg4[%swap3A, %swap3A_33, %swap3A_34], %swap3A_37 {strides = array<i32>} : memref<1x16x128xi32, #tpu.memory_space<vmem>>, vector<1x16x128xi32>,
    return
  }
  func.func @transform_0(%arg0: i32) -> (i32, i32, i32) {
    %c0_i32 = arith.constant 0 : i32
    %c0_i32_0 = arith.constant 0 : i32
    %c0_i32_1 = arith.constant 0 : i32
    return %arg0, %c0_i32, %c0_i32_0 : i32, i32, i32
  }
  func.func @transform_1(%arg0: i32) -> (i32, i32, i32) {
    %c0_i32 = arith.constant 0 : i32
    %c0_i32_0 = arith.constant 0 : i32
    %c0_i32_1 = arith.constant 0 : i32
    return %arg0, %c0_i32, %c0_i32_0 : i32, i32, i32
  }
  func.func @transform_2(%arg0: i32) -> (i32, i32, i32) {
    %c0_i32 = arith.constant 0 : i32
    %c0_i32_0 = arith.constant 0 : i32
    %c0_i32_1 = arith.constant 0 : i32
    return %arg0, %c0_i32, %c0_i32_0 : i32, i32, i32
  }
  func.func @transform_3(%arg0: i32) -> (i32, i32, i32) {
    %c0_i32 = arith.constant 0 : i32
    %c0_i32_0 = arith.constant 0 : i32
    %c0_i32_1 = arith.constant 0 : i32
    return %arg0, %c0_i32, %c0_i32_0 : i32, i32, i32
  }
}

module attributes {stable_mosaic.version = 14 : i64} {
  func.func @_ballq_kernel(%arg0: i32, %arg1: i32, %arg2: memref<1x256x3xf32, #tpu.memory_space<vmem>>, %arg3: memref<1x3x8192xf32, #tpu.memory_space<vmem>>, %arg4: memref<1x256x32xi32, #tpu.memory_space<vmem>>) attributes {dimension_semantics = [#tpu.dimension_semantics<parallel>, #tpu.dimension_semantics<parallel>], iteration_bounds = array<i64: 4, 8>, scalar_prefetch = 0 : i64, scratch_operands = 0 : i64, tpu.core_type = #tpu.core_type<tc>, window_params = [{transform_indices = @transform_0, window_bounds = array<i64: 1, 256, 3>}, {transform_indices = @transform_1, window_bounds = array<i64: 1, 3, 8192>}, {transform_indices = @transform_2, window_bounds = array<i64: 1, 256, 32>}]} {
    %get3A = arith.constant 0 : index
    %get3A_0 = arith.constant 0 : index
    %get3A_1 = arith.constant 0 : index
    %get3A_2 = vector.load %arg2[%get3A, %get3A_0, %get3A_1] : memref<1x256x3xf32, #tpu.memory_space<vmem>>, vector<1x256x3xf32>
    %get3A_3 = vector.shape_cast %get3A_2 : vector<1x256x3xf32> to vector<256x3xf32>
    %get3A_4 = arith.constant 0 : index
    %get3A_5 = arith.constant 0 : index
    %get3A_6 = arith.constant 0 : index
    %get3A_7 = vector.load %arg3[%get3A_4, %get3A_5, %get3A_6] : memref<1x3x8192xf32, #tpu.memory_space<vmem>>, vector<1x3x8192xf32>
    %get3A_8 = vector.shape_cast %get3A_7 : vector<1x3x8192xf32> to vector<3x8192xf32>
    %slice3A = vector.extract_strided_slice %get3A_3 {offsets = [0, 0], sizes = [256, 1], strides = [1, 1]} : vector<256x3xf32> to vector<256x1xf32>
    %slice3A_9 = vector.extract_strided_slice %get3A_3 {offsets = [0, 1], sizes = [256, 1], strides = [1, 1]} : vector<256x3xf32> to vector<256x1xf32>
    %slice3A_10 = vector.extract_strided_slice %get3A_3 {offsets = [0, 2], sizes = [256, 1], strides = [1, 1]} : vector<256x3xf32> to vector<256x1xf32>
    %slice3A_11 = vector.extract_strided_slice %get3A_8 {offsets = [0, 0], sizes = [1, 8192], strides = [1, 1]} : vector<3x8192xf32> to vector<1x8192xf32>
    %slice3A_12 = vector.extract_strided_slice %get3A_8 {offsets = [1, 0], sizes = [1, 8192], strides = [1, 1]} : vector<3x8192xf32> to vector<1x8192xf32>
    %slice3A_13 = vector.extract_strided_slice %get3A_8 {offsets = [2, 0], sizes = [1, 8192], strides = [1, 1]} : vector<3x8192xf32> to vector<1x8192xf32>
    %sub3A = vector.broadcast %slice3A : vector<256x1xf32> to vector<256x8192xf32>
    %sub3A_14 = vector.broadcast %slice3A_11 : vector<1x8192xf32> to vector<256x8192xf32>
    %sub3A_15 = arith.subf %sub3A, %sub3A_14 : vector<256x8192xf32>
    %integer_pow3A = arith.mulf %sub3A_15, %sub3A_15 : vector<256x8192xf32>
    %sub3A_16 = vector.broadcast %slice3A_9 : vector<256x1xf32> to vector<256x8192xf32>
    %sub3A_17 = vector.broadcast %slice3A_12 : vector<1x8192xf32> to vector<256x8192xf32>
    %sub3A_18 = arith.subf %sub3A_16, %sub3A_17 : vector<256x8192xf32>
    %integer_pow3A_19 = arith.mulf %sub3A_18, %sub3A_18 : vector<256x8192xf32>
    %add3A = arith.addf %integer_pow3A, %integer_pow3A_19 : vector<256x8192xf32>
    %sub3A_20 = vector.broadcast %slice3A_10 : vector<256x1xf32> to vector<256x8192xf32>
    %sub3A_21 = vector.broadcast %slice3A_13 : vector<1x8192xf32> to vector<256x8192xf32>
    %sub3A_22 = arith.subf %sub3A_20, %sub3A_21 : vector<256x8192xf32>
    %integer_pow3A_23 = arith.mulf %sub3A_22, %sub3A_22 : vector<256x8192xf32>
    %add3A_24 = arith.addf %add3A, %integer_pow3A_23 : vector<256x8192xf32>
    %iota3A = tpu.iota {dimensions = array<i32: 1>} : vector<256x8192xi32>
    %le3A = arith.constant 4.000000e-02 : f32
    %le3A_25 = vector.broadcast %le3A : f32 to vector<256x8192xf32>
    %le3A_26 = arith.cmpf ole, %add3A_24, %le3A_25 : vector<256x8192xf32>
    %jit3A = arith.constant 8192 : i32
    %broadcast_in_dim3A = vector.broadcast %jit3A : i32 to vector<256x8192xi32>
    %select_n3A = arith.select %le3A_26, %iota3A, %broadcast_in_dim3A : vector<256x8192xi1>, vector<256x8192xi32>
    %iota3A_27 = tpu.iota {dimensions = array<i32: 1>} : vector<256x32xi32>
    %broadcast_in_dim3A_28 = arith.constant 0 : i32
    %broadcast_in_dim3A_29 = vector.broadcast %broadcast_in_dim3A_28 : i32 to vector<256x32xi32>
    %scan3A = arith.constant 0 : i32
    %scan3A_30 = arith.constant 32 : i32
    %scan3A_31 = arith.addi %scan3A, %scan3A_30 : i32
    %scan3A_32 = arith.constant 1 : i32
    %scan3A_33:2 = scf.for %scan3A_46 = %scan3A to %scan3A_31 step %scan3A_32 iter_args(%scan3A_47 = %select_n3A, %scan3A_48 = %broadcast_in_dim3A_29) -> (vector<256x8192xi32>, vector<256x32xi32>)  : i32 {
      %reduce_min3A = arith.constant dense<2147483647> : vector<256xi32>
      %reduce_min3A_49 = vector.multi_reduction <minsi>, %scan3A_47, %reduce_min3A [1] : vector<256x8192xi32> to vector<256xi32>
      %broadcast_in_dim3A_50 = vector.shape_cast %reduce_min3A_49 : vector<256xi32> to vector<256x1xi32>
      %eq3A_51 = vector.broadcast %scan3A_46 : i32 to vector<256x32xi32>
      %eq3A_52 = arith.cmpi eq, %iota3A_27, %eq3A_51 : vector<256x32xi32>
      %broadcast_in_dim3A_53 = vector.shape_cast %broadcast_in_dim3A_50 : vector<256x1xi32> to vector<256x1xi32>
      %broadcast_in_dim3A_54 = vector.broadcast %broadcast_in_dim3A_53 : vector<256x1xi32> to vector<256x32xi32>
      %select_n3A_55 = arith.select %eq3A_52, %broadcast_in_dim3A_54, %scan3A_48 : vector<256x32xi1>, vector<256x32xi32>
      %eq3A_56 = vector.broadcast %broadcast_in_dim3A_50 : vector<256x1xi32> to vector<256x8192xi32>
      %eq3A_57 = arith.cmpi eq, %scan3A_47, %eq3A_56 : vector<256x8192xi32>
      %jit3A_58 = arith.constant 8192 : i32
      %broadcast_in_dim3A_59 = vector.broadcast %jit3A_58 : i32 to vector<256x8192xi32>
      %select_n3A_60 = arith.select %eq3A_57, %broadcast_in_dim3A_59, %scan3A_47 : vector<256x8192xi1>, vector<256x8192xi32>
      scf.yield %select_n3A_60, %select_n3A_55 : vector<256x8192xi32>, vector<256x32xi32>
    }
    %scan3A_34 = arith.constant 32 : i32
    %slice3A_35 = vector.extract_strided_slice %scan3A_33#1 {offsets = [0, 0], sizes = [256, 1], strides = [1, 1]} : vector<256x32xi32> to vector<256x1xi32>
    %eq3A = arith.constant 8192 : i32
    %eq3A_36 = vector.broadcast %eq3A : i32 to vector<256x32xi32>
    %eq3A_37 = arith.cmpi eq, %scan3A_33#1, %eq3A_36 : vector<256x32xi32>
    %broadcast_in_dim3A_38 = vector.shape_cast %slice3A_35 : vector<256x1xi32> to vector<256x1xi32>
    %broadcast_in_dim3A_39 = vector.broadcast %broadcast_in_dim3A_38 : vector<256x1xi32> to vector<256x32xi32>
    %select_n3A_40 = arith.select %eq3A_37, %broadcast_in_dim3A_39, %scan3A_33#1 : vector<256x32xi1>, vector<256x32xi32>
    %swap3A = arith.constant 0 : index
    %swap3A_41 = arith.constant 0 : index
    %swap3A_42 = arith.constant 0 : index
    %swap3A_43 = vector.load %arg4[%swap3A, %swap3A_41, %swap3A_42] : memref<1x256x32xi32, #tpu.memory_space<vmem>>, vector<1x256x32xi32>
    %swap3A_44 = vector.shape_cast %swap3A_43 : vector<1x256x32xi32> to vector<256x32xi32>
    %swap3A_45 = vector.shape_cast %select_n3A_40 : vector<256x32xi32> to vector<1x256x32xi32>
    tpu.vector_store %arg4[%swap3A, %swap3A_41, %swap3A_42], %swap3A_45 {strides = array<i32>} : memref<1x256x32xi32, #tpu.memory_space<vmem>>, vector<1x256x32xi32>,
    return
  }
  func.func @transform_0(%arg0: i32, %arg1: i32) -> (i32, i32, i32) {
    %c0_i32 = arith.constant 0 : i32
    %c0_i32_0 = arith.constant 0 : i32
    return %arg0, %arg1, %c0_i32 : i32, i32, i32
  }
  func.func @transform_1(%arg0: i32, %arg1: i32) -> (i32, i32, i32) {
    %c0_i32 = arith.constant 0 : i32
    %c0_i32_0 = arith.constant 0 : i32
    %c0_i32_1 = arith.constant 0 : i32
    return %arg0, %c0_i32, %c0_i32_0 : i32, i32, i32
  }
  func.func @transform_2(%arg0: i32, %arg1: i32) -> (i32, i32, i32) {
    %c0_i32 = arith.constant 0 : i32
    %c0_i32_0 = arith.constant 0 : i32
    return %arg0, %arg1, %c0_i32 : i32, i32, i32
  }
}

module attributes {stable_mosaic.version = 14 : i64} {
  func.func @_stage_a_kernel(%arg0: i32, %arg1: memref<8192x16xf32, #tpu.memory_space<vmem>>, %arg2: memref<256x16xf32, #tpu.memory_space<vmem>>, %arg3: memref<16x8xf32, #tpu.memory_space<vmem>>, %arg4: memref<8192x8xf32, #tpu.memory_space<vmem>>, %arg5: memref<8x8xf32, #tpu.memory_space<vmem>>) attributes {dimension_semantics = [#tpu.dimension_semantics<arbitrary>], iteration_bounds = array<i64: 32>, scalar_prefetch = 0 : i64, scratch_operands = 0 : i64, tpu.core_type = #tpu.core_type<tc>, window_params = [{transform_indices = @transform_0, window_bounds = array<i64: 8192, 16>}, {transform_indices = @transform_1, window_bounds = array<i64: 256, 16>}, {pipeline_mode = #tpu.pipeline_mode<synchronous>, transform_indices = @transform_2, window_bounds = array<i64: 16, 8>}, {transform_indices = @transform_3, window_bounds = array<i64: 8192, 8>}, {transform_indices = @transform_4, window_bounds = array<i64: 8, 8>}]} {
    %get3A = arith.constant 0 : index
    %get3A_0 = arith.constant 0 : index
    %get3A_1 = vector.load %arg1[%get3A, %get3A_0] : memref<8192x16xf32, #tpu.memory_space<vmem>>, vector<8192x16xf32>
    %get3A_2 = arith.constant 0 : index
    %get3A_3 = arith.constant 0 : index
    %get3A_4 = vector.load %arg2[%get3A_2, %get3A_3] : memref<256x16xf32, #tpu.memory_space<vmem>>, vector<256x16xf32>
    %reshape3A = vector.shape_cast %get3A_1 : vector<8192x16xf32> to vector<256x32x16xf32>
    %reshape3A_5 = vector.shape_cast %get3A_4 : vector<256x16xf32> to vector<256x1x16xf32>
    %sub3A = vector.broadcast %reshape3A_5 : vector<256x1x16xf32> to vector<256x32x16xf32>
    %sub3A_6 = arith.subf %reshape3A, %sub3A : vector<256x32x16xf32>
    %reshape3A_7 = vector.shape_cast %sub3A_6 : vector<256x32x16xf32> to vector<8192x16xf32>
    %get3A_8 = arith.constant 0 : index
    %get3A_9 = arith.constant 0 : index
    %get3A_10 = vector.load %arg3[%get3A_8, %get3A_9] : memref<16x8xf32, #tpu.memory_space<vmem>>, vector<16x8xf32>
    %dot_general3A = arith.constant dense<0.000000e+00> : vector<8192x8xf32>
    %dot_general3A_11 = tpu.matmul %reshape3A_7, %get3A_10, %dot_general3A {dimension_numbers = #tpu.dot_dimension_numbers<[1], [0], [0], [1], [0, 0, 1, 1], [], []>, transpose_lhs_hint = false} : vector<8192x16xf32>, vector<16x8xf32>, vector<8192x8xf32> -> vector<8192x8xf32>
    %swap3A = arith.constant 0 : index
    %swap3A_12 = arith.constant 0 : index
    %swap3A_13 = vector.load %arg4[%swap3A, %swap3A_12] : memref<8192x8xf32, #tpu.memory_space<vmem>>, vector<8192x8xf32>
    tpu.vector_store %arg4[%swap3A, %swap3A_12], %dot_general3A_11 {strides = array<i32>} : memref<8192x8xf32, #tpu.memory_space<vmem>>, vector<8192x8xf32>,
    %reduce_sum3A = arith.constant dense<0.000000e+00> : vector<8xf32>
    %reduce_sum3A_14 = vector.multi_reduction <add>, %dot_general3A_11, %reduce_sum3A [0] : vector<8192x8xf32> to vector<8xf32>
    %broadcast_in_dim3A = vector.shape_cast %reduce_sum3A_14 : vector<8xf32> to vector<1x8xf32>
    %mul3A = arith.mulf %dot_general3A_11, %dot_general3A_11 : vector<8192x8xf32>
    %reduce_sum3A_15 = arith.constant dense<0.000000e+00> : vector<8xf32>
    %reduce_sum3A_16 = vector.multi_reduction <add>, %mul3A, %reduce_sum3A_15 [0] : vector<8192x8xf32> to vector<8xf32>
    %broadcast_in_dim3A_17 = vector.shape_cast %reduce_sum3A_16 : vector<8xf32> to vector<1x8xf32>
    %iota3A = tpu.iota {dimensions = array<i32: 0>} : vector<8x8xi32>
    %eq3A = arith.constant 0 : i32
    %eq3A_18 = vector.broadcast %eq3A : i32 to vector<8x8xi32>
    %eq3A_19 = arith.cmpi eq, %iota3A, %eq3A_18 : vector<8x8xi32>
    %eq3A_20 = arith.constant 1 : i32
    %eq3A_21 = vector.broadcast %eq3A_20 : i32 to vector<8x8xi32>
    %eq3A_22 = arith.cmpi eq, %iota3A, %eq3A_21 : vector<8x8xi32>
    %jit3A = arith.constant 0.000000e+00 : f32
    %broadcast_in_dim3A_23 = vector.shape_cast %broadcast_in_dim3A_17 : vector<1x8xf32> to vector<1x8xf32>
    %broadcast_in_dim3A_24 = vector.broadcast %broadcast_in_dim3A_23 : vector<1x8xf32> to vector<8x8xf32>
    %broadcast_in_dim3A_25 = vector.broadcast %jit3A : f32 to vector<8x8xf32>
    %select_n3A = arith.select %eq3A_22, %broadcast_in_dim3A_24, %broadcast_in_dim3A_25 : vector<8x8xi1>, vector<8x8xf32>
    %broadcast_in_dim3A_26 = vector.shape_cast %broadcast_in_dim3A : vector<1x8xf32> to vector<1x8xf32>
    %broadcast_in_dim3A_27 = vector.broadcast %broadcast_in_dim3A_26 : vector<1x8xf32> to vector<8x8xf32>
    %select_n3A_28 = arith.select %eq3A_19, %broadcast_in_dim3A_27, %select_n3A : vector<8x8xi1>, vector<8x8xf32>
    %swap3A_29 = arith.constant 0 : index
    %swap3A_30 = arith.constant 0 : index
    %swap3A_31 = vector.load %arg5[%swap3A_29, %swap3A_30] : memref<8x8xf32, #tpu.memory_space<vmem>>, vector<8x8xf32>
    tpu.vector_store %arg5[%swap3A_29, %swap3A_30], %select_n3A_28 {strides = array<i32>} : memref<8x8xf32, #tpu.memory_space<vmem>>, vector<8x8xf32>,
    return
  }
  func.func @transform_0(%arg0: i32) -> (i32, i32) {
    %c0_i32 = arith.constant 0 : i32
    %c0_i32_0 = arith.constant 0 : i32
    return %arg0, %c0_i32 : i32, i32
  }
  func.func @transform_1(%arg0: i32) -> (i32, i32) {
    %c0_i32 = arith.constant 0 : i32
    %c0_i32_0 = arith.constant 0 : i32
    return %arg0, %c0_i32 : i32, i32
  }
  func.func @transform_2(%arg0: i32) -> (i32, i32) {
    %c0_i32 = arith.constant 0 : i32
    %c0_i32_0 = arith.constant 0 : i32
    %c0_i32_1 = arith.constant 0 : i32
    return %c0_i32, %c0_i32_0 : i32, i32
  }
  func.func @transform_3(%arg0: i32) -> (i32, i32) {
    %c0_i32 = arith.constant 0 : i32
    %c0_i32_0 = arith.constant 0 : i32
    return %arg0, %c0_i32 : i32, i32
  }
  func.func @transform_4(%arg0: i32) -> (i32, i32) {
    %c0_i32 = arith.constant 0 : i32
    %c0_i32_0 = arith.constant 0 : i32
    return %arg0, %c0_i32 : i32, i32
  }
}

module attributes {stable_mosaic.version = 14 : i64} {
  func.func @_stage_mid_kernel(%arg0: i32, %arg1: memref<8192x8xf32, #tpu.memory_space<vmem>>, %arg2: memref<1x8xf32, #tpu.memory_space<vmem>>, %arg3: memref<1x8xf32, #tpu.memory_space<vmem>>, %arg4: memref<8x16xf32, #tpu.memory_space<vmem>>, %arg5: memref<8192x16xf32, #tpu.memory_space<vmem>>, %arg6: memref<8x16xf32, #tpu.memory_space<vmem>>) attributes {dimension_semantics = [#tpu.dimension_semantics<arbitrary>], iteration_bounds = array<i64: 32>, scalar_prefetch = 0 : i64, scratch_operands = 0 : i64, tpu.core_type = #tpu.core_type<tc>, window_params = [{transform_indices = @transform_0, window_bounds = array<i64: 8192, 8>}, {pipeline_mode = #tpu.pipeline_mode<synchronous>, transform_indices = @transform_1, window_bounds = array<i64: 1, 8>}, {pipeline_mode = #tpu.pipeline_mode<synchronous>, transform_indices = @transform_2, window_bounds = array<i64: 1, 8>}, {pipeline_mode = #tpu.pipeline_mode<synchronous>, transform_indices = @transform_3, window_bounds = array<i64: 8, 16>}, {transform_indices = @transform_4, window_bounds = array<i64: 8192, 16>}, {transform_indices = @transform_5, window_bounds = array<i64: 8, 16>}]} {
    %get3A = arith.constant 0 : index
    %get3A_0 = arith.constant 0 : index
    %get3A_1 = vector.load %arg1[%get3A, %get3A_0] : memref<8192x8xf32, #tpu.memory_space<vmem>>, vector<8192x8xf32>
    %get3A_2 = arith.constant 0 : index
    %get3A_3 = arith.constant 0 : index
    %get3A_4 = vector.load %arg2[%get3A_2, %get3A_3] : memref<1x8xf32, #tpu.memory_space<vmem>>, vector<1x8xf32>
    %mul3A = vector.broadcast %get3A_4 : vector<1x8xf32> to vector<8192x8xf32>
    %mul3A_5 = arith.mulf %get3A_1, %mul3A : vector<8192x8xf32>
    %get3A_6 = arith.constant 0 : index
    %get3A_7 = arith.constant 0 : index
    %get3A_8 = vector.load %arg3[%get3A_6, %get3A_7] : memref<1x8xf32, #tpu.memory_space<vmem>>, vector<1x8xf32>
    %add3A = vector.broadcast %get3A_8 : vector<1x8xf32> to vector<8192x8xf32>
    %add3A_9 = arith.addf %mul3A_5, %add3A : vector<8192x8xf32>
    %ge3A = arith.constant 0.000000e+00 : f32
    %ge3A_10 = vector.broadcast %ge3A : f32 to vector<8192x8xf32>
    %ge3A_11 = arith.cmpf oge, %add3A_9, %ge3A_10 : vector<8192x8xf32>
    %mul3A_12 = arith.constant 2.000000e-01 : f32
    %mul3A_13 = vector.broadcast %mul3A_12 : f32 to vector<8192x8xf32>
    %mul3A_14 = arith.mulf %mul3A_13, %add3A_9 : vector<8192x8xf32>
    %select_n3A = arith.select %ge3A_11, %add3A_9, %mul3A_14 : vector<8192x8xi1>, vector<8192x8xf32>
    %get3A_15 = arith.constant 0 : index
    %get3A_16 = arith.constant 0 : index
    %get3A_17 = vector.load %arg4[%get3A_15, %get3A_16] : memref<8x16xf32, #tpu.memory_space<vmem>>, vector<8x16xf32>
    %dot_general3A = arith.constant dense<0.000000e+00> : vector<8192x16xf32>
    %dot_general3A_18 = tpu.matmul %select_n3A, %get3A_17, %dot_general3A {dimension_numbers = #tpu.dot_dimension_numbers<[1], [0], [0], [1], [0, 0, 1, 1], [], []>, transpose_lhs_hint = false} : vector<8192x8xf32>, vector<8x16xf32>, vector<8192x16xf32> -> vector<8192x16xf32>
    %swap3A = arith.constant 0 : index
    %swap3A_19 = arith.constant 0 : index
    %swap3A_20 = vector.load %arg5[%swap3A, %swap3A_19] : memref<8192x16xf32, #tpu.memory_space<vmem>>, vector<8192x16xf32>
    tpu.vector_store %arg5[%swap3A, %swap3A_19], %dot_general3A_18 {strides = array<i32>} : memref<8192x16xf32, #tpu.memory_space<vmem>>, vector<8192x16xf32>,
    %reduce_sum3A = arith.constant dense<0.000000e+00> : vector<16xf32>
    %reduce_sum3A_21 = vector.multi_reduction <add>, %dot_general3A_18, %reduce_sum3A [0] : vector<8192x16xf32> to vector<16xf32>
    %broadcast_in_dim3A = vector.shape_cast %reduce_sum3A_21 : vector<16xf32> to vector<1x16xf32>
    %mul3A_22 = arith.mulf %dot_general3A_18, %dot_general3A_18 : vector<8192x16xf32>
    %reduce_sum3A_23 = arith.constant dense<0.000000e+00> : vector<16xf32>
    %reduce_sum3A_24 = vector.multi_reduction <add>, %mul3A_22, %reduce_sum3A_23 [0] : vector<8192x16xf32> to vector<16xf32>
    %broadcast_in_dim3A_25 = vector.shape_cast %reduce_sum3A_24 : vector<16xf32> to vector<1x16xf32>
    %iota3A = tpu.iota {dimensions = array<i32: 0>} : vector<8x16xi32>
    %eq3A = arith.constant 0 : i32
    %eq3A_26 = vector.broadcast %eq3A : i32 to vector<8x16xi32>
    %eq3A_27 = arith.cmpi eq, %iota3A, %eq3A_26 : vector<8x16xi32>
    %eq3A_28 = arith.constant 1 : i32
    %eq3A_29 = vector.broadcast %eq3A_28 : i32 to vector<8x16xi32>
    %eq3A_30 = arith.cmpi eq, %iota3A, %eq3A_29 : vector<8x16xi32>
    %jit3A = arith.constant 0.000000e+00 : f32
    %broadcast_in_dim3A_31 = vector.shape_cast %broadcast_in_dim3A_25 : vector<1x16xf32> to vector<1x16xf32>
    %broadcast_in_dim3A_32 = vector.broadcast %broadcast_in_dim3A_31 : vector<1x16xf32> to vector<8x16xf32>
    %broadcast_in_dim3A_33 = vector.broadcast %jit3A : f32 to vector<8x16xf32>
    %select_n3A_34 = arith.select %eq3A_30, %broadcast_in_dim3A_32, %broadcast_in_dim3A_33 : vector<8x16xi1>, vector<8x16xf32>
    %broadcast_in_dim3A_35 = vector.shape_cast %broadcast_in_dim3A : vector<1x16xf32> to vector<1x16xf32>
    %broadcast_in_dim3A_36 = vector.broadcast %broadcast_in_dim3A_35 : vector<1x16xf32> to vector<8x16xf32>
    %select_n3A_37 = arith.select %eq3A_27, %broadcast_in_dim3A_36, %select_n3A_34 : vector<8x16xi1>, vector<8x16xf32>
    %swap3A_38 = arith.constant 0 : index
    %swap3A_39 = arith.constant 0 : index
    %swap3A_40 = vector.load %arg6[%swap3A_38, %swap3A_39] : memref<8x16xf32, #tpu.memory_space<vmem>>, vector<8x16xf32>
    tpu.vector_store %arg6[%swap3A_38, %swap3A_39], %select_n3A_37 {strides = array<i32>} : memref<8x16xf32, #tpu.memory_space<vmem>>, vector<8x16xf32>,
    return
  }
  func.func @transform_0(%arg0: i32) -> (i32, i32) {
    %c0_i32 = arith.constant 0 : i32
    %c0_i32_0 = arith.constant 0 : i32
    return %arg0, %c0_i32 : i32, i32
  }
  func.func @transform_1(%arg0: i32) -> (i32, i32) {
    %c0_i32 = arith.constant 0 : i32
    %c0_i32_0 = arith.constant 0 : i32
    %c0_i32_1 = arith.constant 0 : i32
    return %c0_i32, %c0_i32_0 : i32, i32
  }
  func.func @transform_2(%arg0: i32) -> (i32, i32) {
    %c0_i32 = arith.constant 0 : i32
    %c0_i32_0 = arith.constant 0 : i32
    %c0_i32_1 = arith.constant 0 : i32
    return %c0_i32, %c0_i32_0 : i32, i32
  }
  func.func @transform_3(%arg0: i32) -> (i32, i32) {
    %c0_i32 = arith.constant 0 : i32
    %c0_i32_0 = arith.constant 0 : i32
    %c0_i32_1 = arith.constant 0 : i32
    return %c0_i32, %c0_i32_0 : i32, i32
  }
  func.func @transform_4(%arg0: i32) -> (i32, i32) {
    %c0_i32 = arith.constant 0 : i32
    %c0_i32_0 = arith.constant 0 : i32
    return %arg0, %c0_i32 : i32, i32
  }
  func.func @transform_5(%arg0: i32) -> (i32, i32) {
    %c0_i32 = arith.constant 0 : i32
    %c0_i32_0 = arith.constant 0 : i32
    return %arg0, %c0_i32 : i32, i32
  }
}

module attributes {stable_mosaic.version = 14 : i64} {
  func.func @_stage_mid_kernel(%arg0: i32, %arg1: memref<8192x16xf32, #tpu.memory_space<vmem>>, %arg2: memref<1x16xf32, #tpu.memory_space<vmem>>, %arg3: memref<1x16xf32, #tpu.memory_space<vmem>>, %arg4: memref<16x16xf32, #tpu.memory_space<vmem>>, %arg5: memref<8192x16xf32, #tpu.memory_space<vmem>>, %arg6: memref<8x16xf32, #tpu.memory_space<vmem>>) attributes {dimension_semantics = [#tpu.dimension_semantics<arbitrary>], iteration_bounds = array<i64: 32>, scalar_prefetch = 0 : i64, scratch_operands = 0 : i64, tpu.core_type = #tpu.core_type<tc>, window_params = [{transform_indices = @transform_0, window_bounds = array<i64: 8192, 16>}, {pipeline_mode = #tpu.pipeline_mode<synchronous>, transform_indices = @transform_1, window_bounds = array<i64: 1, 16>}, {pipeline_mode = #tpu.pipeline_mode<synchronous>, transform_indices = @transform_2, window_bounds = array<i64: 1, 16>}, {pipeline_mode = #tpu.pipeline_mode<synchronous>, transform_indices = @transform_3, window_bounds = array<i64: 16, 16>}, {transform_indices = @transform_4, window_bounds = array<i64: 8192, 16>}, {transform_indices = @transform_5, window_bounds = array<i64: 8, 16>}]} {
    %get3A = arith.constant 0 : index
    %get3A_0 = arith.constant 0 : index
    %get3A_1 = vector.load %arg1[%get3A, %get3A_0] : memref<8192x16xf32, #tpu.memory_space<vmem>>, vector<8192x16xf32>
    %get3A_2 = arith.constant 0 : index
    %get3A_3 = arith.constant 0 : index
    %get3A_4 = vector.load %arg2[%get3A_2, %get3A_3] : memref<1x16xf32, #tpu.memory_space<vmem>>, vector<1x16xf32>
    %mul3A = vector.broadcast %get3A_4 : vector<1x16xf32> to vector<8192x16xf32>
    %mul3A_5 = arith.mulf %get3A_1, %mul3A : vector<8192x16xf32>
    %get3A_6 = arith.constant 0 : index
    %get3A_7 = arith.constant 0 : index
    %get3A_8 = vector.load %arg3[%get3A_6, %get3A_7] : memref<1x16xf32, #tpu.memory_space<vmem>>, vector<1x16xf32>
    %add3A = vector.broadcast %get3A_8 : vector<1x16xf32> to vector<8192x16xf32>
    %add3A_9 = arith.addf %mul3A_5, %add3A : vector<8192x16xf32>
    %ge3A = arith.constant 0.000000e+00 : f32
    %ge3A_10 = vector.broadcast %ge3A : f32 to vector<8192x16xf32>
    %ge3A_11 = arith.cmpf oge, %add3A_9, %ge3A_10 : vector<8192x16xf32>
    %mul3A_12 = arith.constant 2.000000e-01 : f32
    %mul3A_13 = vector.broadcast %mul3A_12 : f32 to vector<8192x16xf32>
    %mul3A_14 = arith.mulf %mul3A_13, %add3A_9 : vector<8192x16xf32>
    %select_n3A = arith.select %ge3A_11, %add3A_9, %mul3A_14 : vector<8192x16xi1>, vector<8192x16xf32>
    %get3A_15 = arith.constant 0 : index
    %get3A_16 = arith.constant 0 : index
    %get3A_17 = vector.load %arg4[%get3A_15, %get3A_16] : memref<16x16xf32, #tpu.memory_space<vmem>>, vector<16x16xf32>
    %dot_general3A = arith.constant dense<0.000000e+00> : vector<8192x16xf32>
    %dot_general3A_18 = tpu.matmul %select_n3A, %get3A_17, %dot_general3A {dimension_numbers = #tpu.dot_dimension_numbers<[1], [0], [0], [1], [0, 0, 1, 1], [], []>, transpose_lhs_hint = false} : vector<8192x16xf32>, vector<16x16xf32>, vector<8192x16xf32> -> vector<8192x16xf32>
    %swap3A = arith.constant 0 : index
    %swap3A_19 = arith.constant 0 : index
    %swap3A_20 = vector.load %arg5[%swap3A, %swap3A_19] : memref<8192x16xf32, #tpu.memory_space<vmem>>, vector<8192x16xf32>
    tpu.vector_store %arg5[%swap3A, %swap3A_19], %dot_general3A_18 {strides = array<i32>} : memref<8192x16xf32, #tpu.memory_space<vmem>>, vector<8192x16xf32>,
    %reduce_sum3A = arith.constant dense<0.000000e+00> : vector<16xf32>
    %reduce_sum3A_21 = vector.multi_reduction <add>, %dot_general3A_18, %reduce_sum3A [0] : vector<8192x16xf32> to vector<16xf32>
    %broadcast_in_dim3A = vector.shape_cast %reduce_sum3A_21 : vector<16xf32> to vector<1x16xf32>
    %mul3A_22 = arith.mulf %dot_general3A_18, %dot_general3A_18 : vector<8192x16xf32>
    %reduce_sum3A_23 = arith.constant dense<0.000000e+00> : vector<16xf32>
    %reduce_sum3A_24 = vector.multi_reduction <add>, %mul3A_22, %reduce_sum3A_23 [0] : vector<8192x16xf32> to vector<16xf32>
    %broadcast_in_dim3A_25 = vector.shape_cast %reduce_sum3A_24 : vector<16xf32> to vector<1x16xf32>
    %iota3A = tpu.iota {dimensions = array<i32: 0>} : vector<8x16xi32>
    %eq3A = arith.constant 0 : i32
    %eq3A_26 = vector.broadcast %eq3A : i32 to vector<8x16xi32>
    %eq3A_27 = arith.cmpi eq, %iota3A, %eq3A_26 : vector<8x16xi32>
    %eq3A_28 = arith.constant 1 : i32
    %eq3A_29 = vector.broadcast %eq3A_28 : i32 to vector<8x16xi32>
    %eq3A_30 = arith.cmpi eq, %iota3A, %eq3A_29 : vector<8x16xi32>
    %jit3A = arith.constant 0.000000e+00 : f32
    %broadcast_in_dim3A_31 = vector.shape_cast %broadcast_in_dim3A_25 : vector<1x16xf32> to vector<1x16xf32>
    %broadcast_in_dim3A_32 = vector.broadcast %broadcast_in_dim3A_31 : vector<1x16xf32> to vector<8x16xf32>
    %broadcast_in_dim3A_33 = vector.broadcast %jit3A : f32 to vector<8x16xf32>
    %select_n3A_34 = arith.select %eq3A_30, %broadcast_in_dim3A_32, %broadcast_in_dim3A_33 : vector<8x16xi1>, vector<8x16xf32>
    %broadcast_in_dim3A_35 = vector.shape_cast %broadcast_in_dim3A : vector<1x16xf32> to vector<1x16xf32>
    %broadcast_in_dim3A_36 = vector.broadcast %broadcast_in_dim3A_35 : vector<1x16xf32> to vector<8x16xf32>
    %select_n3A_37 = arith.select %eq3A_27, %broadcast_in_dim3A_36, %select_n3A_34 : vector<8x16xi1>, vector<8x16xf32>
    %swap3A_38 = arith.constant 0 : index
    %swap3A_39 = arith.constant 0 : index
    %swap3A_40 = vector.load %arg6[%swap3A_38, %swap3A_39] : memref<8x16xf32, #tpu.memory_space<vmem>>, vector<8x16xf32>
    tpu.vector_store %arg6[%swap3A_38, %swap3A_39], %select_n3A_37 {strides = array<i32>} : memref<8x16xf32, #tpu.memory_space<vmem>>, vector<8x16xf32>,
    return
  }
  func.func @transform_0(%arg0: i32) -> (i32, i32) {
    %c0_i32 = arith.constant 0 : i32
    %c0_i32_0 = arith.constant 0 : i32
    return %arg0, %c0_i32 : i32, i32
  }
  func.func @transform_1(%arg0: i32) -> (i32, i32) {
    %c0_i32 = arith.constant 0 : i32
    %c0_i32_0 = arith.constant 0 : i32
    %c0_i32_1 = arith.constant 0 : i32
    return %c0_i32, %c0_i32_0 : i32, i32
  }
  func.func @transform_2(%arg0: i32) -> (i32, i32) {
    %c0_i32 = arith.constant 0 : i32
    %c0_i32_0 = arith.constant 0 : i32
    %c0_i32_1 = arith.constant 0 : i32
    return %c0_i32, %c0_i32_0 : i32, i32
  }
  func.func @transform_3(%arg0: i32) -> (i32, i32) {
    %c0_i32 = arith.constant 0 : i32
    %c0_i32_0 = arith.constant 0 : i32
    %c0_i32_1 = arith.constant 0 : i32
    return %c0_i32, %c0_i32_0 : i32, i32
  }
  func.func @transform_4(%arg0: i32) -> (i32, i32) {
    %c0_i32 = arith.constant 0 : i32
    %c0_i32_0 = arith.constant 0 : i32
    return %arg0, %c0_i32 : i32, i32
  }
  func.func @transform_5(%arg0: i32) -> (i32, i32) {
    %c0_i32 = arith.constant 0 : i32
    %c0_i32_0 = arith.constant 0 : i32
    return %arg0, %c0_i32 : i32, i32
  }
}

module attributes {stable_mosaic.version = 14 : i64} {
  func.func @_stage_d_kernel(%arg0: i32, %arg1: memref<8192x16xf32, #tpu.memory_space<vmem>>, %arg2: memref<1x16xf32, #tpu.memory_space<vmem>>, %arg3: memref<1x16xf32, #tpu.memory_space<vmem>>, %arg4: memref<16x16xf32, #tpu.memory_space<vmem>>, %arg5: memref<1x16xf32, #tpu.memory_space<vmem>>, %arg6: memref<8192x64xf32, #tpu.memory_space<vmem>>, %arg7: memref<16x64x64xf32, #tpu.memory_space<vmem>>, %arg8: memref<256x64xf32, #tpu.memory_space<vmem>>, %arg9: memref<8x64xf32, #tpu.memory_space<vmem>>) attributes {dimension_semantics = [#tpu.dimension_semantics<arbitrary>], iteration_bounds = array<i64: 32>, scalar_prefetch = 0 : i64, scratch_operands = 0 : i64, tpu.core_type = #tpu.core_type<tc>, window_params = [{transform_indices = @transform_0, window_bounds = array<i64: 8192, 16>}, {pipeline_mode = #tpu.pipeline_mode<synchronous>, transform_indices = @transform_1, window_bounds = array<i64: 1, 16>}, {pipeline_mode = #tpu.pipeline_mode<synchronous>, transform_indices = @transform_2, window_bounds = array<i64: 1, 16>}, {pipeline_mode = #tpu.pipeline_mode<synchronous>, transform_indices = @transform_3, window_bounds = array<i64: 16, 16>}, {pipeline_mode = #tpu.pipeline_mode<synchronous>, transform_indices = @transform_4, window_bounds = array<i64: 1, 16>}, {transform_indices = @transform_5, window_bounds = array<i64: 8192, 64>}, {pipeline_mode = #tpu.pipeline_mode<synchronous>, transform_indices = @transform_6, window_bounds = array<i64: 16, 64, 64>}, {transform_indices = @transform_7, window_bounds = array<i64: 256, 64>}, {transform_indices = @transform_8, window_bounds = array<i64: 8, 64>}]} {
    %get3A = arith.constant 0 : index
    %get3A_0 = arith.constant 0 : index
    %get3A_1 = vector.load %arg1[%get3A, %get3A_0] : memref<8192x16xf32, #tpu.memory_space<vmem>>, vector<8192x16xf32>
    %get3A_2 = arith.constant 0 : index
    %get3A_3 = arith.constant 0 : index
    %get3A_4 = vector.load %arg2[%get3A_2, %get3A_3] : memref<1x16xf32, #tpu.memory_space<vmem>>, vector<1x16xf32>
    %mul3A = vector.broadcast %get3A_4 : vector<1x16xf32> to vector<8192x16xf32>
    %mul3A_5 = arith.mulf %get3A_1, %mul3A : vector<8192x16xf32>
    %get3A_6 = arith.constant 0 : index
    %get3A_7 = arith.constant 0 : index
    %get3A_8 = vector.load %arg3[%get3A_6, %get3A_7] : memref<1x16xf32, #tpu.memory_space<vmem>>, vector<1x16xf32>
    %add3A = vector.broadcast %get3A_8 : vector<1x16xf32> to vector<8192x16xf32>
    %add3A_9 = arith.addf %mul3A_5, %add3A : vector<8192x16xf32>
    %ge3A = arith.constant 0.000000e+00 : f32
    %ge3A_10 = vector.broadcast %ge3A : f32 to vector<8192x16xf32>
    %ge3A_11 = arith.cmpf oge, %add3A_9, %ge3A_10 : vector<8192x16xf32>
    %mul3A_12 = arith.constant 2.000000e-01 : f32
    %mul3A_13 = vector.broadcast %mul3A_12 : f32 to vector<8192x16xf32>
    %mul3A_14 = arith.mulf %mul3A_13, %add3A_9 : vector<8192x16xf32>
    %select_n3A = arith.select %ge3A_11, %add3A_9, %mul3A_14 : vector<8192x16xi1>, vector<8192x16xf32>
    %get3A_15 = arith.constant 0 : index
    %get3A_16 = arith.constant 0 : index
    %get3A_17 = vector.load %arg4[%get3A_15, %get3A_16] : memref<16x16xf32, #tpu.memory_space<vmem>>, vector<16x16xf32>
    %dot_general3A = arith.constant dense<0.000000e+00> : vector<8192x16xf32>
    %dot_general3A_18 = tpu.matmul %select_n3A, %get3A_17, %dot_general3A {dimension_numbers = #tpu.dot_dimension_numbers<[1], [0], [0], [1], [0, 0, 1, 1], [], []>, transpose_lhs_hint = false} : vector<8192x16xf32>, vector<16x16xf32>, vector<8192x16xf32> -> vector<8192x16xf32>
    %get3A_19 = arith.constant 0 : index
    %get3A_20 = arith.constant 0 : index
    %get3A_21 = vector.load %arg5[%get3A_19, %get3A_20] : memref<1x16xf32, #tpu.memory_space<vmem>>, vector<1x16xf32>
    %add3A_22 = vector.broadcast %get3A_21 : vector<1x16xf32> to vector<8192x16xf32>
    %add3A_23 = arith.addf %dot_general3A_18, %add3A_22 : vector<8192x16xf32>
    %mul3A_24 = arith.mulf %add3A_23, %add3A_23 : vector<8192x16xf32>
    %reduce_sum3A = arith.constant dense<0.000000e+00> : vector<8192xf32>
    %reduce_sum3A_25 = vector.multi_reduction <add>, %mul3A_24, %reduce_sum3A [1] : vector<8192x16xf32> to vector<8192xf32>
    %broadcast_in_dim3A = vector.shape_cast %reduce_sum3A_25 : vector<8192xf32> to vector<8192x1xf32>
    %max3A = arith.constant 9.99999993E-9 : f32
    %max3A_26 = vector.broadcast %max3A : f32 to vector<8192x1xf32>
    %max3A_27 = arith.maximumf %broadcast_in_dim3A, %max3A_26 : vector<8192x1xf32>
    %sqrt3A = math.sqrt %max3A_27 : vector<8192x1xf32>
    %div3A = vector.broadcast %sqrt3A : vector<8192x1xf32> to vector<8192x16xf32>
    %div3A_28 = arith.divf %add3A_23, %div3A : vector<8192x16xf32>
    %reshape3A = vector.shape_cast %div3A_28 : vector<8192x16xf32> to vector<256x32x16xf32>
    %reshape3A_29 = vector.shape_cast %mul3A_24 : vector<8192x16xf32> to vector<256x32x16xf32>
    %reduce_sum3A_30 = arith.constant dense<0.000000e+00> : vector<256x16xf32>
    %reduce_sum3A_31 = vector.multi_reduction <add>, %reshape3A_29, %reduce_sum3A_30 [1] : vector<256x32x16xf32> to vector<256x16xf32>
    %broadcast_in_dim3A_32 = vector.shape_cast %reduce_sum3A_31 : vector<256x16xf32> to vector<256x1x16xf32>
    %max3A_33 = arith.constant 9.99999993E-9 : f32
    %max3A_34 = vector.broadcast %max3A_33 : f32 to vector<256x1x16xf32>
    %max3A_35 = arith.maximumf %broadcast_in_dim3A_32, %max3A_34 : vector<256x1x16xf32>
    %sqrt3A_36 = math.sqrt %max3A_35 : vector<256x1x16xf32>
    %max3A_37 = arith.constant 1.000000e+00 : f32
    %max3A_38 = vector.broadcast %max3A_37 : f32 to vector<256x1x16xf32>
    %max3A_39 = arith.maximumf %sqrt3A_36, %max3A_38 : vector<256x1x16xf32>
    %div3A_40 = vector.broadcast %max3A_39 : vector<256x1x16xf32> to vector<256x32x16xf32>
    %div3A_41 = arith.divf %reshape3A, %div3A_40 : vector<256x32x16xf32>
    %get3A_42 = arith.constant 0 : index
    %get3A_43 = arith.constant 0 : index
    %get3A_44 = vector.load %arg6[%get3A_42, %get3A_43] : memref<8192x64xf32, #tpu.memory_space<vmem>>, vector<8192x64xf32>
    %reshape3A_45 = vector.shape_cast %get3A_44 : vector<8192x64xf32> to vector<256x32x64xf32>
    %dot_general3A_46 = arith.constant dense<0.000000e+00> : vector<256x16x64xf32>
    %dot_general3A_47 = tpu.matmul %div3A_41, %reshape3A_45, %dot_general3A_46 {dimension_numbers = #tpu.dot_dimension_numbers<[1], [1], [2], [2], [0, 0, 0, 2, 1, 2], [0], [0]>, transpose_lhs_hint = false} : vector<256x32x16xf32>, vector<256x32x64xf32>, vector<256x16x64xf32> -> vector<256x16x64xf32>
    %ge3A_48 = arith.constant 0.000000e+00 : f32
    %ge3A_49 = vector.broadcast %ge3A_48 : f32 to vector<256x16x64xf32>
    %ge3A_50 = arith.cmpf oge, %dot_general3A_47, %ge3A_49 : vector<256x16x64xf32>
    %mul3A_51 = arith.constant 2.000000e-01 : f32
    %mul3A_52 = vector.broadcast %mul3A_51 : f32 to vector<256x16x64xf32>
    %mul3A_53 = arith.mulf %mul3A_52, %dot_general3A_47 : vector<256x16x64xf32>
    %select_n3A_54 = arith.select %ge3A_50, %dot_general3A_47, %mul3A_53 : vector<256x16x64xi1>, vector<256x16x64xf32>
    %broadcast_in_dim3A_55 = arith.constant 0.000000e+00 : f32
    %broadcast_in_dim3A_56 = vector.broadcast %broadcast_in_dim3A_55 : f32 to vector<256x64xf32>
    %slice3A = vector.extract_strided_slice %select_n3A_54 {offsets = [0, 0, 0], sizes = [256, 1, 64], strides = [1, 1, 1]} : vector<256x16x64xf32> to vector<256x1x64xf32>
    %squeeze3A = vector.shape_cast %slice3A : vector<256x1x64xf32> to vector<256x64xf32>
    %get3A_57 = arith.constant 0 : index
    %get3A_58 = arith.constant 0 : index
    %get3A_59 = arith.constant 0 : index
    %get3A_60 = vector.load %arg7[%get3A_57, %get3A_58, %get3A_59] : memref<16x64x64xf32, #tpu.memory_space<vmem>>, vector<1x64x64xf32>
    %get3A_61 = vector.shape_cast %get3A_60 : vector<1x64x64xf32> to vector<64x64xf32>
    %dot_general3A_62 = arith.constant dense<0.000000e+00> : vector<256x64xf32>
    %dot_general3A_63 = tpu.matmul %squeeze3A, %get3A_61, %dot_general3A_62 {dimension_numbers = #tpu.dot_dimension_numbers<[1], [0], [0], [1], [0, 0, 1, 1], [], []>, transpose_lhs_hint = false} : vector<256x64xf32>, vector<64x64xf32>, vector<256x64xf32> -> vector<256x64xf32>
    %add3A_64 = arith.addf %broadcast_in_dim3A_56, %dot_general3A_63 : vector<256x64xf32>
    %slice3A_65 = vector.extract_strided_slice %select_n3A_54 {offsets = [0, 1, 0], sizes = [256, 1, 64], strides = [1, 1, 1]} : vector<256x16x64xf32> to vector<256x1x64xf32>
    %squeeze3A_66 = vector.shape_cast %slice3A_65 : vector<256x1x64xf32> to vector<256x64xf32>
    %get3A_67 = arith.constant 1 : index
    %get3A_68 = arith.constant 0 : index
    %get3A_69 = arith.constant 0 : index
    %get3A_70 = vector.load %arg7[%get3A_67, %get3A_68, %get3A_69] : memref<16x64x64xf32, #tpu.memory_space<vmem>>, vector<1x64x64xf32>
    %get3A_71 = vector.shape_cast %get3A_70 : vector<1x64x64xf32> to vector<64x64xf32>
    %dot_general3A_72 = arith.constant dense<0.000000e+00> : vector<256x64xf32>
    %dot_general3A_73 = tpu.matmul %squeeze3A_66, %get3A_71, %dot_general3A_72 {dimension_numbers = #tpu.dot_dimension_numbers<[1], [0], [0], [1], [0, 0, 1, 1], [], []>, transpose_lhs_hint = false} : vector<256x64xf32>, vector<64x64xf32>, vector<256x64xf32> -> vector<256x64xf32>
    %add3A_74 = arith.addf %add3A_64, %dot_general3A_73 : vector<256x64xf32>
    %slice3A_75 = vector.extract_strided_slice %select_n3A_54 {offsets = [0, 2, 0], sizes = [256, 1, 64], strides = [1, 1, 1]} : vector<256x16x64xf32> to vector<256x1x64xf32>
    %squeeze3A_76 = vector.shape_cast %slice3A_75 : vector<256x1x64xf32> to vector<256x64xf32>
    %get3A_77 = arith.constant 2 : index
    %get3A_78 = arith.constant 0 : index
    %get3A_79 = arith.constant 0 : index
    %get3A_80 = vector.load %arg7[%get3A_77, %get3A_78, %get3A_79] : memref<16x64x64xf32, #tpu.memory_space<vmem>>, vector<1x64x64xf32>
    %get3A_81 = vector.shape_cast %get3A_80 : vector<1x64x64xf32> to vector<64x64xf32>
    %dot_general3A_82 = arith.constant dense<0.000000e+00> : vector<256x64xf32>
    %dot_general3A_83 = tpu.matmul %squeeze3A_76, %get3A_81, %dot_general3A_82 {dimension_numbers = #tpu.dot_dimension_numbers<[1], [0], [0], [1], [0, 0, 1, 1], [], []>, transpose_lhs_hint = false} : vector<256x64xf32>, vector<64x64xf32>, vector<256x64xf32> -> vector<256x64xf32>
    %add3A_84 = arith.addf %add3A_74, %dot_general3A_83 : vector<256x64xf32>
    %slice3A_85 = vector.extract_strided_slice %select_n3A_54 {offsets = [0, 3, 0], sizes = [256, 1, 64], strides = [1, 1, 1]} : vector<256x16x64xf32> to vector<256x1x64xf32>
    %squeeze3A_86 = vector.shape_cast %slice3A_85 : vector<256x1x64xf32> to vector<256x64xf32>
    %get3A_87 = arith.constant 3 : index
    %get3A_88 = arith.constant 0 : index
    %get3A_89 = arith.constant 0 : index
    %get3A_90 = vector.load %arg7[%get3A_87, %get3A_88, %get3A_89] : memref<16x64x64xf32, #tpu.memory_space<vmem>>, vector<1x64x64xf32>
    %get3A_91 = vector.shape_cast %get3A_90 : vector<1x64x64xf32> to vector<64x64xf32>
    %dot_general3A_92 = arith.constant dense<0.000000e+00> : vector<256x64xf32>
    %dot_general3A_93 = tpu.matmul %squeeze3A_86, %get3A_91, %dot_general3A_92 {dimension_numbers = #tpu.dot_dimension_numbers<[1], [0], [0], [1], [0, 0, 1, 1], [], []>, transpose_lhs_hint = false} : vector<256x64xf32>, vector<64x64xf32>, vector<256x64xf32> -> vector<256x64xf32>
    %add3A_94 = arith.addf %add3A_84, %dot_general3A_93 : vector<256x64xf32>
    %slice3A_95 = vector.extract_strided_slice %select_n3A_54 {offsets = [0, 4, 0], sizes = [256, 1, 64], strides = [1, 1, 1]} : vector<256x16x64xf32> to vector<256x1x64xf32>
    %squeeze3A_96 = vector.shape_cast %slice3A_95 : vector<256x1x64xf32> to vector<256x64xf32>
    %get3A_97 = arith.constant 4 : index
    %get3A_98 = arith.constant 0 : index
    %get3A_99 = arith.constant 0 : index
    %get3A_100 = vector.load %arg7[%get3A_97, %get3A_98, %get3A_99] : memref<16x64x64xf32, #tpu.memory_space<vmem>>, vector<1x64x64xf32>
    %get3A_101 = vector.shape_cast %get3A_100 : vector<1x64x64xf32> to vector<64x64xf32>
    %dot_general3A_102 = arith.constant dense<0.000000e+00> : vector<256x64xf32>
    %dot_general3A_103 = tpu.matmul %squeeze3A_96, %get3A_101, %dot_general3A_102 {dimension_numbers = #tpu.dot_dimension_numbers<[1], [0], [0], [1], [0, 0, 1, 1], [], []>, transpose_lhs_hint = false} : vector<256x64xf32>, vector<64x64xf32>, vector<256x64xf32> -> vector<256x64xf32>
    %add3A_104 = arith.addf %add3A_94, %dot_general3A_103 : vector<256x64xf32>
    %slice3A_105 = vector.extract_strided_slice %select_n3A_54 {offsets = [0, 5, 0], sizes = [256, 1, 64], strides = [1, 1, 1]} : vector<256x16x64xf32> to vector<256x1x64xf32>
    %squeeze3A_106 = vector.shape_cast %slice3A_105 : vector<256x1x64xf32> to vector<256x64xf32>
    %get3A_107 = arith.constant 5 : index
    %get3A_108 = arith.constant 0 : index
    %get3A_109 = arith.constant 0 : index
    %get3A_110 = vector.load %arg7[%get3A_107, %get3A_108, %get3A_109] : memref<16x64x64xf32, #tpu.memory_space<vmem>>, vector<1x64x64xf32>
    %get3A_111 = vector.shape_cast %get3A_110 : vector<1x64x64xf32> to vector<64x64xf32>
    %dot_general3A_112 = arith.constant dense<0.000000e+00> : vector<256x64xf32>
    %dot_general3A_113 = tpu.matmul %squeeze3A_106, %get3A_111, %dot_general3A_112 {dimension_numbers = #tpu.dot_dimension_numbers<[1], [0], [0], [1], [0, 0, 1, 1], [], []>, transpose_lhs_hint = false} : vector<256x64xf32>, vector<64x64xf32>, vector<256x64xf32> -> vector<256x64xf32>
    %add3A_114 = arith.addf %add3A_104, %dot_general3A_113 : vector<256x64xf32>
    %slice3A_115 = vector.extract_strided_slice %select_n3A_54 {offsets = [0, 6, 0], sizes = [256, 1, 64], strides = [1, 1, 1]} : vector<256x16x64xf32> to vector<256x1x64xf32>
    %squeeze3A_116 = vector.shape_cast %slice3A_115 : vector<256x1x64xf32> to vector<256x64xf32>
    %get3A_117 = arith.constant 6 : index
    %get3A_118 = arith.constant 0 : index
    %get3A_119 = arith.constant 0 : index
    %get3A_120 = vector.load %arg7[%get3A_117, %get3A_118, %get3A_119] : memref<16x64x64xf32, #tpu.memory_space<vmem>>, vector<1x64x64xf32>
    %get3A_121 = vector.shape_cast %get3A_120 : vector<1x64x64xf32> to vector<64x64xf32>
    %dot_general3A_122 = arith.constant dense<0.000000e+00> : vector<256x64xf32>
    %dot_general3A_123 = tpu.matmul %squeeze3A_116, %get3A_121, %dot_general3A_122 {dimension_numbers = #tpu.dot_dimension_numbers<[1], [0], [0], [1], [0, 0, 1, 1], [], []>, transpose_lhs_hint = false} : vector<256x64xf32>, vector<64x64xf32>, vector<256x64xf32> -> vector<256x64xf32>
    %add3A_124 = arith.addf %add3A_114, %dot_general3A_123 : vector<256x64xf32>
    %slice3A_125 = vector.extract_strided_slice %select_n3A_54 {offsets = [0, 7, 0], sizes = [256, 1, 64], strides = [1, 1, 1]} : vector<256x16x64xf32> to vector<256x1x64xf32>
    %squeeze3A_126 = vector.shape_cast %slice3A_125 : vector<256x1x64xf32> to vector<256x64xf32>
    %get3A_127 = arith.constant 7 : index
    %get3A_128 = arith.constant 0 : index
    %get3A_129 = arith.constant 0 : index
    %get3A_130 = vector.load %arg7[%get3A_127, %get3A_128, %get3A_129] : memref<16x64x64xf32, #tpu.memory_space<vmem>>, vector<1x64x64xf32>
    %get3A_131 = vector.shape_cast %get3A_130 : vector<1x64x64xf32> to vector<64x64xf32>
    %dot_general3A_132 = arith.constant dense<0.000000e+00> : vector<256x64xf32>
    %dot_general3A_133 = tpu.matmul %squeeze3A_126, %get3A_131, %dot_general3A_132 {dimension_numbers = #tpu.dot_dimension_numbers<[1], [0], [0], [1], [0, 0, 1, 1], [], []>, transpose_lhs_hint = false} : vector<256x64xf32>, vector<64x64xf32>, vector<256x64xf32> -> vector<256x64xf32>
    %add3A_134 = arith.addf %add3A_124, %dot_general3A_133 : vector<256x64xf32>
    %slice3A_135 = vector.extract_strided_slice %select_n3A_54 {offsets = [0, 8, 0], sizes = [256, 1, 64], strides = [1, 1, 1]} : vector<256x16x64xf32> to vector<256x1x64xf32>
    %squeeze3A_136 = vector.shape_cast %slice3A_135 : vector<256x1x64xf32> to vector<256x64xf32>
    %get3A_137 = arith.constant 8 : index
    %get3A_138 = arith.constant 0 : index
    %get3A_139 = arith.constant 0 : index
    %get3A_140 = vector.load %arg7[%get3A_137, %get3A_138, %get3A_139] : memref<16x64x64xf32, #tpu.memory_space<vmem>>, vector<1x64x64xf32>
    %get3A_141 = vector.shape_cast %get3A_140 : vector<1x64x64xf32> to vector<64x64xf32>
    %dot_general3A_142 = arith.constant dense<0.000000e+00> : vector<256x64xf32>
    %dot_general3A_143 = tpu.matmul %squeeze3A_136, %get3A_141, %dot_general3A_142 {dimension_numbers = #tpu.dot_dimension_numbers<[1], [0], [0], [1], [0, 0, 1, 1], [], []>, transpose_lhs_hint = false} : vector<256x64xf32>, vector<64x64xf32>, vector<256x64xf32> -> vector<256x64xf32>
    %add3A_144 = arith.addf %add3A_134, %dot_general3A_143 : vector<256x64xf32>
    %slice3A_145 = vector.extract_strided_slice %select_n3A_54 {offsets = [0, 9, 0], sizes = [256, 1, 64], strides = [1, 1, 1]} : vector<256x16x64xf32> to vector<256x1x64xf32>
    %squeeze3A_146 = vector.shape_cast %slice3A_145 : vector<256x1x64xf32> to vector<256x64xf32>
    %get3A_147 = arith.constant 9 : index
    %get3A_148 = arith.constant 0 : index
    %get3A_149 = arith.constant 0 : index
    %get3A_150 = vector.load %arg7[%get3A_147, %get3A_148, %get3A_149] : memref<16x64x64xf32, #tpu.memory_space<vmem>>, vector<1x64x64xf32>
    %get3A_151 = vector.shape_cast %get3A_150 : vector<1x64x64xf32> to vector<64x64xf32>
    %dot_general3A_152 = arith.constant dense<0.000000e+00> : vector<256x64xf32>
    %dot_general3A_153 = tpu.matmul %squeeze3A_146, %get3A_151, %dot_general3A_152 {dimension_numbers = #tpu.dot_dimension_numbers<[1], [0], [0], [1], [0, 0, 1, 1], [], []>, transpose_lhs_hint = false} : vector<256x64xf32>, vector<64x64xf32>, vector<256x64xf32> -> vector<256x64xf32>
    %add3A_154 = arith.addf %add3A_144, %dot_general3A_153 : vector<256x64xf32>
    %slice3A_155 = vector.extract_strided_slice %select_n3A_54 {offsets = [0, 10, 0], sizes = [256, 1, 64], strides = [1, 1, 1]} : vector<256x16x64xf32> to vector<256x1x64xf32>
    %squeeze3A_156 = vector.shape_cast %slice3A_155 : vector<256x1x64xf32> to vector<256x64xf32>
    %get3A_157 = arith.constant 10 : index
    %get3A_158 = arith.constant 0 : index
    %get3A_159 = arith.constant 0 : index
    %get3A_160 = vector.load %arg7[%get3A_157, %get3A_158, %get3A_159] : memref<16x64x64xf32, #tpu.memory_space<vmem>>, vector<1x64x64xf32>
    %get3A_161 = vector.shape_cast %get3A_160 : vector<1x64x64xf32> to vector<64x64xf32>
    %dot_general3A_162 = arith.constant dense<0.000000e+00> : vector<256x64xf32>
    %dot_general3A_163 = tpu.matmul %squeeze3A_156, %get3A_161, %dot_general3A_162 {dimension_numbers = #tpu.dot_dimension_numbers<[1], [0], [0], [1], [0, 0, 1, 1], [], []>, transpose_lhs_hint = false} : vector<256x64xf32>, vector<64x64xf32>, vector<256x64xf32> -> vector<256x64xf32>
    %add3A_164 = arith.addf %add3A_154, %dot_general3A_163 : vector<256x64xf32>
    %slice3A_165 = vector.extract_strided_slice %select_n3A_54 {offsets = [0, 11, 0], sizes = [256, 1, 64], strides = [1, 1, 1]} : vector<256x16x64xf32> to vector<256x1x64xf32>
    %squeeze3A_166 = vector.shape_cast %slice3A_165 : vector<256x1x64xf32> to vector<256x64xf32>
    %get3A_167 = arith.constant 11 : index
    %get3A_168 = arith.constant 0 : index
    %get3A_169 = arith.constant 0 : index
    %get3A_170 = vector.load %arg7[%get3A_167, %get3A_168, %get3A_169] : memref<16x64x64xf32, #tpu.memory_space<vmem>>, vector<1x64x64xf32>
    %get3A_171 = vector.shape_cast %get3A_170 : vector<1x64x64xf32> to vector<64x64xf32>
    %dot_general3A_172 = arith.constant dense<0.000000e+00> : vector<256x64xf32>
    %dot_general3A_173 = tpu.matmul %squeeze3A_166, %get3A_171, %dot_general3A_172 {dimension_numbers = #tpu.dot_dimension_numbers<[1], [0], [0], [1], [0, 0, 1, 1], [], []>, transpose_lhs_hint = false} : vector<256x64xf32>, vector<64x64xf32>, vector<256x64xf32> -> vector<256x64xf32>
    %add3A_174 = arith.addf %add3A_164, %dot_general3A_173 : vector<256x64xf32>
    %slice3A_175 = vector.extract_strided_slice %select_n3A_54 {offsets = [0, 12, 0], sizes = [256, 1, 64], strides = [1, 1, 1]} : vector<256x16x64xf32> to vector<256x1x64xf32>
    %squeeze3A_176 = vector.shape_cast %slice3A_175 : vector<256x1x64xf32> to vector<256x64xf32>
    %get3A_177 = arith.constant 12 : index
    %get3A_178 = arith.constant 0 : index
    %get3A_179 = arith.constant 0 : index
    %get3A_180 = vector.load %arg7[%get3A_177, %get3A_178, %get3A_179] : memref<16x64x64xf32, #tpu.memory_space<vmem>>, vector<1x64x64xf32>
    %get3A_181 = vector.shape_cast %get3A_180 : vector<1x64x64xf32> to vector<64x64xf32>
    %dot_general3A_182 = arith.constant dense<0.000000e+00> : vector<256x64xf32>
    %dot_general3A_183 = tpu.matmul %squeeze3A_176, %get3A_181, %dot_general3A_182 {dimension_numbers = #tpu.dot_dimension_numbers<[1], [0], [0], [1], [0, 0, 1, 1], [], []>, transpose_lhs_hint = false} : vector<256x64xf32>, vector<64x64xf32>, vector<256x64xf32> -> vector<256x64xf32>
    %add3A_184 = arith.addf %add3A_174, %dot_general3A_183 : vector<256x64xf32>
    %slice3A_185 = vector.extract_strided_slice %select_n3A_54 {offsets = [0, 13, 0], sizes = [256, 1, 64], strides = [1, 1, 1]} : vector<256x16x64xf32> to vector<256x1x64xf32>
    %squeeze3A_186 = vector.shape_cast %slice3A_185 : vector<256x1x64xf32> to vector<256x64xf32>
    %get3A_187 = arith.constant 13 : index
    %get3A_188 = arith.constant 0 : index
    %get3A_189 = arith.constant 0 : index
    %get3A_190 = vector.load %arg7[%get3A_187, %get3A_188, %get3A_189] : memref<16x64x64xf32, #tpu.memory_space<vmem>>, vector<1x64x64xf32>
    %get3A_191 = vector.shape_cast %get3A_190 : vector<1x64x64xf32> to vector<64x64xf32>
    %dot_general3A_192 = arith.constant dense<0.000000e+00> : vector<256x64xf32>
    %dot_general3A_193 = tpu.matmul %squeeze3A_186, %get3A_191, %dot_general3A_192 {dimension_numbers = #tpu.dot_dimension_numbers<[1], [0], [0], [1], [0, 0, 1, 1], [], []>, transpose_lhs_hint = false} : vector<256x64xf32>, vector<64x64xf32>, vector<256x64xf32> -> vector<256x64xf32>
    %add3A_194 = arith.addf %add3A_184, %dot_general3A_193 : vector<256x64xf32>
    %slice3A_195 = vector.extract_strided_slice %select_n3A_54 {offsets = [0, 14, 0], sizes = [256, 1, 64], strides = [1, 1, 1]} : vector<256x16x64xf32> to vector<256x1x64xf32>
    %squeeze3A_196 = vector.shape_cast %slice3A_195 : vector<256x1x64xf32> to vector<256x64xf32>
    %get3A_197 = arith.constant 14 : index
    %get3A_198 = arith.constant 0 : index
    %get3A_199 = arith.constant 0 : index
    %get3A_200 = vector.load %arg7[%get3A_197, %get3A_198, %get3A_199] : memref<16x64x64xf32, #tpu.memory_space<vmem>>, vector<1x64x64xf32>
    %get3A_201 = vector.shape_cast %get3A_200 : vector<1x64x64xf32> to vector<64x64xf32>
    %dot_general3A_202 = arith.constant dense<0.000000e+00> : vector<256x64xf32>
    %dot_general3A_203 = tpu.matmul %squeeze3A_196, %get3A_201, %dot_general3A_202 {dimension_numbers = #tpu.dot_dimension_numbers<[1], [0], [0], [1], [0, 0, 1, 1], [], []>, transpose_lhs_hint = false} : vector<256x64xf32>, vector<64x64xf32>, vector<256x64xf32> -> vector<256x64xf32>
    %add3A_204 = arith.addf %add3A_194, %dot_general3A_203 : vector<256x64xf32>
    %slice3A_205 = vector.extract_strided_slice %select_n3A_54 {offsets = [0, 15, 0], sizes = [256, 1, 64], strides = [1, 1, 1]} : vector<256x16x64xf32> to vector<256x1x64xf32>
    %squeeze3A_206 = vector.shape_cast %slice3A_205 : vector<256x1x64xf32> to vector<256x64xf32>
    %get3A_207 = arith.constant 15 : index
    %get3A_208 = arith.constant 0 : index
    %get3A_209 = arith.constant 0 : index
    %get3A_210 = vector.load %arg7[%get3A_207, %get3A_208, %get3A_209] : memref<16x64x64xf32, #tpu.memory_space<vmem>>, vector<1x64x64xf32>
    %get3A_211 = vector.shape_cast %get3A_210 : vector<1x64x64xf32> to vector<64x64xf32>
    %dot_general3A_212 = arith.constant dense<0.000000e+00> : vector<256x64xf32>
    %dot_general3A_213 = tpu.matmul %squeeze3A_206, %get3A_211, %dot_general3A_212 {dimension_numbers = #tpu.dot_dimension_numbers<[1], [0], [0], [1], [0, 0, 1, 1], [], []>, transpose_lhs_hint = false} : vector<256x64xf32>, vector<64x64xf32>, vector<256x64xf32> -> vector<256x64xf32>
    %add3A_214 = arith.addf %add3A_204, %dot_general3A_213 : vector<256x64xf32>
    %swap3A = arith.constant 0 : index
    %swap3A_215 = arith.constant 0 : index
    %swap3A_216 = vector.load %arg8[%swap3A, %swap3A_215] : memref<256x64xf32, #tpu.memory_space<vmem>>, vector<256x64xf32>
    tpu.vector_store %arg8[%swap3A, %swap3A_215], %add3A_214 {strides = array<i32>} : memref<256x64xf32, #tpu.memory_space<vmem>>, vector<256x64xf32>,
    %reduce_sum3A_217 = arith.constant dense<0.000000e+00> : vector<64xf32>
    %reduce_sum3A_218 = vector.multi_reduction <add>, %add3A_214, %reduce_sum3A_217 [0] : vector<256x64xf32> to vector<64xf32>
    %broadcast_in_dim3A_219 = vector.shape_cast %reduce_sum3A_218 : vector<64xf32> to vector<1x64xf32>
    %mul3A_220 = arith.mulf %add3A_214, %add3A_214 : vector<256x64xf32>
    %reduce_sum3A_221 = arith.constant dense<0.000000e+00> : vector<64xf32>
    %reduce_sum3A_222 = vector.multi_reduction <add>, %mul3A_220, %reduce_sum3A_221 [0] : vector<256x64xf32> to vector<64xf32>
    %broadcast_in_dim3A_223 = vector.shape_cast %reduce_sum3A_222 : vector<64xf32> to vector<1x64xf32>
    %iota3A = tpu.iota {dimensions = array<i32: 0>} : vector<8x64xi32>
    %eq3A = arith.constant 0 : i32
    %eq3A_224 = vector.broadcast %eq3A : i32 to vector<8x64xi32>
    %eq3A_225 = arith.cmpi eq, %iota3A, %eq3A_224 : vector<8x64xi32>
    %eq3A_226 = arith.constant 1 : i32
    %eq3A_227 = vector.broadcast %eq3A_226 : i32 to vector<8x64xi32>
    %eq3A_228 = arith.cmpi eq, %iota3A, %eq3A_227 : vector<8x64xi32>
    %jit3A = arith.constant 0.000000e+00 : f32
    %broadcast_in_dim3A_229 = vector.shape_cast %broadcast_in_dim3A_223 : vector<1x64xf32> to vector<1x64xf32>
    %broadcast_in_dim3A_230 = vector.broadcast %broadcast_in_dim3A_229 : vector<1x64xf32> to vector<8x64xf32>
    %broadcast_in_dim3A_231 = vector.broadcast %jit3A : f32 to vector<8x64xf32>
    %select_n3A_232 = arith.select %eq3A_228, %broadcast_in_dim3A_230, %broadcast_in_dim3A_231 : vector<8x64xi1>, vector<8x64xf32>
    %broadcast_in_dim3A_233 = vector.shape_cast %broadcast_in_dim3A_219 : vector<1x64xf32> to vector<1x64xf32>
    %broadcast_in_dim3A_234 = vector.broadcast %broadcast_in_dim3A_233 : vector<1x64xf32> to vector<8x64xf32>
    %select_n3A_235 = arith.select %eq3A_225, %broadcast_in_dim3A_234, %select_n3A_232 : vector<8x64xi1>, vector<8x64xf32>
    %swap3A_236 = arith.constant 0 : index
    %swap3A_237 = arith.constant 0 : index
    %swap3A_238 = vector.load %arg9[%swap3A_236, %swap3A_237] : memref<8x64xf32, #tpu.memory_space<vmem>>, vector<8x64xf32>
    tpu.vector_store %arg9[%swap3A_236, %swap3A_237], %select_n3A_235 {strides = array<i32>} : memref<8x64xf32, #tpu.memory_space<vmem>>, vector<8x64xf32>,
    return
  }
  func.func @transform_0(%arg0: i32) -> (i32, i32) {
    %c0_i32 = arith.constant 0 : i32
    %c0_i32_0 = arith.constant 0 : i32
    return %arg0, %c0_i32 : i32, i32
  }
  func.func @transform_1(%arg0: i32) -> (i32, i32) {
    %c0_i32 = arith.constant 0 : i32
    %c0_i32_0 = arith.constant 0 : i32
    %c0_i32_1 = arith.constant 0 : i32
    return %c0_i32, %c0_i32_0 : i32, i32
  }
  func.func @transform_2(%arg0: i32) -> (i32, i32) {
    %c0_i32 = arith.constant 0 : i32
    %c0_i32_0 = arith.constant 0 : i32
    %c0_i32_1 = arith.constant 0 : i32
    return %c0_i32, %c0_i32_0 : i32, i32
  }
  func.func @transform_3(%arg0: i32) -> (i32, i32) {
    %c0_i32 = arith.constant 0 : i32
    %c0_i32_0 = arith.constant 0 : i32
    %c0_i32_1 = arith.constant 0 : i32
    return %c0_i32, %c0_i32_0 : i32, i32
  }
  func.func @transform_4(%arg0: i32) -> (i32, i32) {
    %c0_i32 = arith.constant 0 : i32
    %c0_i32_0 = arith.constant 0 : i32
    %c0_i32_1 = arith.constant 0 : i32
    return %c0_i32, %c0_i32_0 : i32, i32
  }
  func.func @transform_5(%arg0: i32) -> (i32, i32) {
    %c0_i32 = arith.constant 0 : i32
    %c0_i32_0 = arith.constant 0 : i32
    return %arg0, %c0_i32 : i32, i32
  }
  func.func @transform_6(%arg0: i32) -> (i32, i32, i32) {
    %c0_i32 = arith.constant 0 : i32
    %c0_i32_0 = arith.constant 0 : i32
    %c0_i32_1 = arith.constant 0 : i32
    %c0_i32_2 = arith.constant 0 : i32
    return %c0_i32, %c0_i32_0, %c0_i32_1 : i32, i32, i32
  }
  func.func @transform_7(%arg0: i32) -> (i32, i32) {
    %c0_i32 = arith.constant 0 : i32
    %c0_i32_0 = arith.constant 0 : i32
    return %arg0, %c0_i32 : i32, i32
  }
  func.func @transform_8(%arg0: i32) -> (i32, i32) {
    %c0_i32 = arith.constant 0 : i32
    %c0_i32_0 = arith.constant 0 : i32
    return %arg0, %c0_i32 : i32, i32
  }
}

module attributes {stable_mosaic.version = 14 : i64} {
  func.func @_stage_e_kernel(%arg0: i32, %arg1: memref<8192x64xf32, #tpu.memory_space<vmem>>, %arg2: memref<1x64xf32, #tpu.memory_space<vmem>>, %arg3: memref<1x64xf32, #tpu.memory_space<vmem>>, %arg4: memref<8192x64xf32, #tpu.memory_space<vmem>>) attributes {dimension_semantics = [#tpu.dimension_semantics<arbitrary>], iteration_bounds = array<i64: 1>, scalar_prefetch = 0 : i64, scratch_operands = 0 : i64, tpu.core_type = #tpu.core_type<tc>, window_params = [{pipeline_mode = #tpu.pipeline_mode<synchronous>, transform_indices = @transform_0, window_bounds = array<i64: 8192, 64>}, {pipeline_mode = #tpu.pipeline_mode<synchronous>, transform_indices = @transform_1, window_bounds = array<i64: 1, 64>}, {pipeline_mode = #tpu.pipeline_mode<synchronous>, transform_indices = @transform_2, window_bounds = array<i64: 1, 64>}, {pipeline_mode = #tpu.pipeline_mode<synchronous>, transform_indices = @transform_3, window_bounds = array<i64: 8192, 64>}]} {
    %get3A = arith.constant 0 : index
    %get3A_0 = arith.constant 0 : index
    %get3A_1 = vector.load %arg1[%get3A, %get3A_0] : memref<8192x64xf32, #tpu.memory_space<vmem>>, vector<8192x64xf32>
    %get3A_2 = arith.constant 0 : index
    %get3A_3 = arith.constant 0 : index
    %get3A_4 = vector.load %arg2[%get3A_2, %get3A_3] : memref<1x64xf32, #tpu.memory_space<vmem>>, vector<1x64xf32>
    %mul3A = vector.broadcast %get3A_4 : vector<1x64xf32> to vector<8192x64xf32>
    %mul3A_5 = arith.mulf %get3A_1, %mul3A : vector<8192x64xf32>
    %get3A_6 = arith.constant 0 : index
    %get3A_7 = arith.constant 0 : index
    %get3A_8 = vector.load %arg3[%get3A_6, %get3A_7] : memref<1x64xf32, #tpu.memory_space<vmem>>, vector<1x64xf32>
    %add3A = vector.broadcast %get3A_8 : vector<1x64xf32> to vector<8192x64xf32>
    %add3A_9 = arith.addf %mul3A_5, %add3A : vector<8192x64xf32>
    %ge3A = arith.constant 0.000000e+00 : f32
    %ge3A_10 = vector.broadcast %ge3A : f32 to vector<8192x64xf32>
    %ge3A_11 = arith.cmpf oge, %add3A_9, %ge3A_10 : vector<8192x64xf32>
    %mul3A_12 = arith.constant 2.000000e-01 : f32
    %mul3A_13 = vector.broadcast %mul3A_12 : f32 to vector<8192x64xf32>
    %mul3A_14 = arith.mulf %mul3A_13, %add3A_9 : vector<8192x64xf32>
    %select_n3A = arith.select %ge3A_11, %add3A_9, %mul3A_14 : vector<8192x64xi1>, vector<8192x64xf32>
    %swap3A = arith.constant 0 : index
    %swap3A_15 = arith.constant 0 : index
    %swap3A_16 = vector.load %arg4[%swap3A, %swap3A_15] : memref<8192x64xf32, #tpu.memory_space<vmem>>, vector<8192x64xf32>
    tpu.vector_store %arg4[%swap3A, %swap3A_15], %select_n3A {strides = array<i32>} : memref<8192x64xf32, #tpu.memory_space<vmem>>, vector<8192x64xf32>,
    return
  }
  func.func @transform_0(%arg0: i32) -> (i32, i32) {
    %c0_i32 = arith.constant 0 : i32
    %c0_i32_0 = arith.constant 0 : i32
    %c0_i32_1 = arith.constant 0 : i32
    return %c0_i32, %c0_i32_0 : i32, i32
  }
  func.func @transform_1(%arg0: i32) -> (i32, i32) {
    %c0_i32 = arith.constant 0 : i32
    %c0_i32_0 = arith.constant 0 : i32
    %c0_i32_1 = arith.constant 0 : i32
    return %c0_i32, %c0_i32_0 : i32, i32
  }
  func.func @transform_2(%arg0: i32) -> (i32, i32) {
    %c0_i32 = arith.constant 0 : i32
    %c0_i32_0 = arith.constant 0 : i32
    %c0_i32_1 = arith.constant 0 : i32
    return %c0_i32, %c0_i32_0 : i32, i32
  }
  func.func @transform_3(%arg0: i32) -> (i32, i32) {
    %c0_i32 = arith.constant 0 : i32
    %c0_i32_0 = arith.constant 0 : i32
    %c0_i32_1 = arith.constant 0 : i32
    return %c0_i32, %c0_i32_0 : i32, i32
  }
}

</mosaic_0001>

<sc_bundles>
// kernel: kernel.11.cloned.1.call-start
scs
__scs_entry_jumppad:
0x0: {  	(pc) =	sbr.rel $0x88, $3  }
0x1: {  	(tag) =	ssettag $0x0;
	lr =	simm.s32 $0x1  }
0x2: {  	[smem:$0x3F91] =	sst lr;
	_ =	strace $0xD0000000  }
0x3: {  	_ = 	snop  }
0x4: {  	_ = 	snop  }
0x5: {  	_ = 	snop  }
0x6: {  	_ = 	snop  }
0x7: {  	_ = 	snop  }
__scs_overlays_trampoline_lowered:
0x8: {  	[smem:$0x3FA0] =	sst s0  }
0x9: {  	[smem:$0x3FA1] =	sst s1  }
0xa: {  	[smem:$0x3FA2] =	sst s2  }
0xb: {  	[smem:$0x3FA3] =	sst s3  }
0xc: {  	[smem:$0x3FA4] =	sst s4  }
0xd: {  	[smem:$0x3FA5] =	sst s5  }
0xe: {  	[smem:$0x3FA6] =	sst s6  }
0xf: {  	[smem:$0x3FA7] =	sst s7  }
0x10: {  	[smem:$0x3FA8] =	sst s8  }
0x11: {  	[smem:$0x3FA9] =	sst s9;
	s0 =	simm.s32 @!p0 $0x0  }
0x12: {  	s1 =	sld [smem:$0x3F8F];
	s0 =	simm.s32 @p0 $0x1  }
0x13: {  	[smem:$0x3FAA] =	sst s0;
	s0 =	simm.s32 @!p1 $0x0  }
0x14: {  	s2 =	sld [smem:$0x3F8E];
	s0 =	simm.s32 @p1 $0x1  }
0x15: {  	[smem:$0x3FAB] =	sst s0;
	s0 =	simm.s32 @!p2 $0x0  }
0x16: {  	s3 =	sld [smem:$0x3FDB];
	s0 =	simm.s32 @p2 $0x1  }
0x17: {  	s4 =	simm.s32 $0x1BF5;
	[smem:$0x3FAD] =	sst s0  }
0x18: {  	s0 =	sld [smem:$0x3F90];
	_ =	swait.ge [sflag:s4], $0x0  }
0x19: {  	s7 =	sld [smem:$0x3F91]  }
0x1a: {  	s8 =	sadd.s32 $0xFFFFE003, lr  }
0x1b: {  	s9 =	sadd.s32 $0xFFFFFEF7, lr;
	s5 =	simm.s32 $0xFFFFFFFF;
	p2 =	slt.u32 s8, $0xFFFFF086  }
0x1c: {  	p1 =	slt.u32 s9, $0xF7A;
	s5 =	simm.s32 @!p2 $0x0  }
0x1d: {  	s5 =	simm.s32 @p1 $0x1;
	p0 =	seq.s32 s7, s2  }
0x1e: {  	s7 =	smul.u32 @!p0 $0xF7A, s2;
	p2 =	seq.s32 @!p0 s5, $0x0  }
0x1f: {  	s9 =	smul.u32 $0xF7A, s1;
	s8 =	simm.s32 @!p0 $0x1BF5;
	p2 =	por !p2, p0  }
0x20: {  	[sflag:s8] =	ssyncset.s32 @!p0 $0xFFFFF086;
	s6 =	sadd.s32 @!p0 s3, s7;
	s7 =	simm.s32 @!p0 $0x108  }
0x21: {  	s3 =	sadd.s32 s3, s9;
	s6 =	sadd.s32 @!p0 $0x88, s6;
	s7 =	simm.s32 @p2 $0x1082  }
0x22: {  	[simem:s7], [sflag:s8] =	dma.local @!p0 [hbm:s6], $0xF7A  }
0x23: {  	s9 =	sor.u32 $0xD0000000, s2;
	s6 =	simm.s32 $0x108;
	_ =	swait.ge @!p0 [sflag:s8], $0x0  }
0x24: {  	s3 =	sadd.s32 $0x88, s3;
	s6 =	simm.s32 @!p1 $0x1082;
	[sflag:s4] =	ssyncset.s32 $0xFFFFF086  }
0x25: {  	[simem:s6], [sflag:s4] =	dma.local [hbm:s3], $0xF7A  }
0x26: {  	[smem:$0x3F91] =	sst s1;
	(tag) =	ssettag s2;
	_ =	strace s9  }
0x27: {  	s1 =	sld [smem:$0x3FA1]  }
0x28: {  	s2 =	sld [smem:$0x3FA2]  }
0x29: {  	s4 =	sld [smem:$0x3FA4]  }
0x2a: {  	p0 =	seq.s32 s5, $0x0;
	s5 =	sld [smem:$0x3FA5]  }
0x2b: {  	s6 =	sld [smem:$0x3FA6]  }
0x2c: {  	s7 =	sld [smem:$0x3FA7]  }
0x2d: {  	s3 =	simm.s32 $0x108;
	s8 =	sld [smem:$0x3FA8]  }
0x2e: {  	s3 =	simm.s32 @!p0 $0x1082;
	s9 =	sld [smem:$0x3FA9]  }
0x2f: {  	lr =	sadd.s32 s0, s3;
	s0 =	sld [smem:$0x3FA0]  }
0x30: {  	s3 =	sld [smem:$0x3FA3]  }
0x31: {  	[smem:$0x3FAC] =	sst s10  }
0x32: {  	s10 =	sld [smem:$0x3FAA];
	_ =	sdelay $0x3  }
0x33: {  	p0 =	seq.s32 s10, $0x1;
	s10 =	sld [smem:$0x3FAC];
	_ =	sdelay $0x3  }
0x34: {  	[smem:$0x3FAC] =	sst s10  }
0x35: {  	s10 =	sld [smem:$0x3FAB];
	_ =	sdelay $0x3  }
0x36: {  	p1 =	seq.s32 s10, $0x1;
	s10 =	sld [smem:$0x3FAC];
	_ =	sdelay $0x3  }
0x37: {  	[smem:$0x3FAC] =	sst s10  }
0x38: {  	s10 =	sld [smem:$0x3FAD]  }
0x39: {  	_ = 	snop;
	(pc) =	sbr.ind lr, $3  }
0x3a: {  	_ = 	snop  }
0x3b: {  	_ = 	snop  }
0x3c: {  	p2 =	seq.s32 s10, $0x1;
	s10 =	sld [smem:$0x3FAC]  }
0x3d: {  	_ =	shalt  }
0x3e: {  	_ =	shalt  }
0x3f: {  	_ =	shalt  }
0x40: {  	_ =	shalt  }
0x41: {  	_ =	shalt  }
0x42: {  	_ =	shalt  }
0x43: {  	_ =	shalt  }
0x44: {  	_ =	shalt  }
0x45: {  	_ =	shalt  }
0x46: {  	_ =	shalt  }
0x47: {  	_ =	shalt  }
0x48: {  	_ =	shalt  }
0x49: {  	_ =	shalt  }
0x4a: {  	_ =	shalt  }
0x4b: {  	_ =	shalt  }
0x4c: {  	_ =	shalt  }
0x4d: {  	_ =	shalt  }
0x4e: {  	_ =	shalt  }
0x4f: {  	_ =	shalt  }
0x50: {  	_ =	shalt  }
0x51: {  	_ =	shalt  }
0x52: {  	_ =	shalt  }
0x53: {  	_ =	shalt  }
0x54: {  	_ =	shalt  }
0x55: {  	_ =	shalt  }
0x56: {  	_ =	shalt  }
0x57: {  	_ =	shalt  }
0x58: {  	_ =	shalt  }
0x59: {  	_ =	shalt  }
0x5a: {  	_ =	shalt  }
0x5b: {  	_ =	shalt  }
0x5c: {  	_ =	shalt  }
0x5d: {  	_ =	shalt  }
0x5e: {  	_ =	shalt  }
0x5f: {  	_ =	shalt  }
0x60: {  	_ =	shalt  }
0x61: {  	_ =	shalt  }
0x62: {  	_ =	shalt  }
0x63: {  	_ =	shalt  }
0x64: {  	_ =	shalt  }
0x65: {  	_ =	shalt  }
0x66: {  	_ =	shalt  }
0x67: {  	_ =	shalt  }
0x68: {  	_ =	shalt  }
0x69: {  	_ =	shalt  }
0x6a: {  	_ =	shalt  }
0x6b: {  	_ =	shalt  }
0x6c: {  	_ =	shalt  }
0x6d: {  	_ =	shalt  }
0x6e: {  	_ =	shalt  }
0x6f: {  	_ =	shalt  }
0x70: {  	_ =	shalt  }
0x71: {  	_ =	shalt  }
0x72: {  	_ =	shalt  }
0x73: {  	_ =	shalt  }
0x74: {  	_ =	shalt  }
0x75: {  	_ =	shalt  }
0x76: {  	_ =	shalt  }
0x77: {  	_ =	shalt  }
0x78: {  	_ =	shalt  }
0x79: {  	_ =	shalt  }
0x7a: {  	_ =	shalt  }
0x7b: {  	_ =	shalt  }
0x7c: {  	_ =	shalt  }
0x7d: {  	_ =	shalt  }
0x7e: {  	_ =	shalt  }
0x7f: {  	_ =	shalt  }
0x80: {  	_ =	shalt  }
0x81: {  	_ =	shalt  }
0x82: {  	_ =	shalt  }
0x83: {  	_ =	shalt  }
0x84: {  	_ =	shalt  }
0x85: {  	_ =	shalt  }
0x86: {  	_ =	shalt  }
0x87: {  	_ =	shalt  }
.Lfunc_end0:
.L_simem_size_0:
called_computation_lowered:
.L_overlay_start_0:
0x88: {  	s2 =	sld [smem:$0x3FD9]  }
0x89: {  	s3 =	sld [smem:$0x3FFE];
	_ =	sdelay $0x1  }
0x8a: {  	s1 =	srdreg.scid  }
0x8b: {  	s0 =	sand.u32 $0x1, s1  }
0x8c: {  	s14 =	sshll.u32 s0, $0xA;
	s2 =	sadd.s32 s3, s2  }
0x8d: {  	s2 =	sadd.s32 s2, s14  }
0x8e: {  	[smem:$0x3FB8] =	sst s2  }
0x8f: {  	_ = 	snop  }
0x90: {  	s2 =	sld [smem:$0x3FD0];
	_ =	sdelay $0x2  }
0x91: {  	s15 =	simm.s32 $0xA;
	s4 =	simm.s32 $0x10  }
0x92: {  	[smem:s4], [sflag:s15] =	dma.local [hbm:s2], $0x1  }
0x93: {  	_ =	swait.eq [sflag:s15], $0x1  }
0x94: {  	[sflag:s15] =	ssyncset.done $0x0  }
0x95: {  	[sflag:s15] =	ssyncadd.s32 $0xFFFFFFFF  }
0x96: {  	s16 =	sld [smem:$0x10];
	(tm) =	ssettm $0x1  }
0x97: {  	s17 =	sld [smem:$0x3FFB];
	_ =	sdelay $0x3  }
0x98: {  	_ =	strace s17  }
0x99: {  	s3 =	sld [smem:$0x3FFC];
	_ =	sdelay $0x3  }
0x9a: {  	_ =	strace s3  }
0x9b: {  	s3 =	sld [smem:$0x3FFD];
	_ =	sdelay $0x3  }
0x9c: {  	_ =	strace s3  }
0x9d: {  	_ =	strace $0x8FFFFFFF  }
0x9e: {  	s18 =	sld [smem:$0x3FDB];
	_ =	sdelay $0x1  }
0x9f: {  	s19 =	simm.s32 $_scs_section_size  }
0xa0: {  	s5 =	simm.s32 $_size__tile_overlayer_lowered;
	s6 =	simm.s32 $_tile_overlayer_lowered  }
0xa1: {  	s22 =	simm.s32 $0x1BFF;
	s21 =	sshll.u32 s6, $0x1;
	s3 =	sadd.s32 s19, s18  }
0xa2: {  	s7 =	simm.s32 $0x0;
	s20 =	sshll.u32 s5, $0x1;
	s5 =	sadd.s32 s21, s3  }
0xa3: {  	[timem:s7], [sflag:s22] =	dma.local [hbm:s5], s20  }
0xa4: {  	_ =	swait.ge [sflag:s22], s20  }
0xa5: {  	s4 =	ssub.s32 $0x0, s20;
	[sflag:s22] =	ssyncset.done $0x0  }
0xa6: {  	[sflag:s22] =	ssyncadd.s32 s4;
	_ =	sdelay $0x1  }
0xa7: {  	s23 =	simm.s32 $0x1B8B  }
0xa8: {  	_ =	swait.ge [sflag:s23], $0x1  }
0xa9: {  	[sflag:s23] =	ssyncset.done $0x0  }
0xaa: {  	s25 =	simm.s32 $0x1B8E;
	s24 =	sld [smem:$0x3FFE];
	[sflag:s23] =	ssyncadd.s32 $0xFFFFFFFF  }
0xab: {  	s26 =	simm.s32 $execute0_lowered;
	[smem:$0x3FD2] =	sst s25  }
0xac: {  	s5 =	sshll.u32 s26, $0x1;
	_ =	strace $0x80000046;
	[dreg:$0x1] =	wrdreg $0xFFFFFFFF  }
0xad: {  	s28 =	simm.s32 $_size_execute0_lowered;
	s3 =	sadd.s32 s3, s5;
	[dreg:$0x0] =	wrdreg $0x0  }
0xae: {  	s5 =	sshll.u32 s28, $0x1;
	[dreg:$0x2] =	wrdreg s3  }
0xaf: {  	[dreg:$0x3] =	wrdreg s5  }
0xb0: {  	[dreg:$0x4] =	wrdreg $0xC0  }
0xb1: {  	_ =	task [dreg:s7], $0x5FFFF  }
0xb2: {  	[dreg:$0x1] =	wrdreg $0xFFFFFFFF  }
0xb3: {  	[dreg:$0x0] =	wrdreg $0x60  }
0xb4: {  	[dreg:$0x2] =	wrdreg s24  }
0xb5: {  	[dreg:$0x3] =	wrdreg s16  }
0xb6: {  	[dreg:$0x4] =	wrdreg $0x9  }
0xb7: {  	_ =	task.clear_ibuf [dreg:s7], $0x5FFFF;
	_ =	strace $0x90000046  }
0xb8: {  	s29 =	simm.s32 $0x9;
	_ =	strace $0x80000048  }
0xb9: {  	_ =	swait.ge [sflag:s29], $0x1  }
0xba: {  	[sflag:s29] =	ssyncadd.s32 $0xFFFFFFFF  }
0xbb: {  	_ =	strace $0x90000048  }
0xbc: {  	_ =	sfence  }
0xbd: {  	s30 =	sld [smem:$0x0];
	_ =	sdelay $0x2  }
0xbe: {  	s31 =	sshll.u32 s1, $0xD;
	s1 =	sshrl.u32 s1, $0x2  }
0xbf: {  	s3 =	sand.u32 $0x4000, s31;
	s1 =	sadd.s32 s1, s30  }
0xc0: {  	s0 =	sor.u32 s3, s0;
	s1 =	sshll.u32 s1, $0x11  }
0xc1: {  	s0 =	sor.u32 s1, s0  }
0xc2: {  	s0 =	sadd.s32 $0x8F2B, s0  }
0xc3: {  	[sflag:s0] =	ssyncadd.remote.s32 $0x1  }
0xc4: {  	_ =	sfence.sel $0xFFFF  }
0xc5: {  	[dreg:$0x0] =	wrdreg $0xFFFFFFFF;
	(pc) =	sbr.abs _section_cstart, $3  }
0xc6: {  	[dreg:$0x1] =	wrdreg $0xFFFFFFFF  }
0xc7: {  	_ =	task.clear_ibuf [dreg:s7], $0x2FFFF;
	_ =	strace $0x9FFFFFFF  }
0xc8: {  	(tm) =	ssettm $0x7FFFFFFF  }
0xc9: {  	_ =	shalt  }
tec
execute0_lowered:
.L_overlay_start_1:
0x0: {  	(tag) =	ssettag $0x1  }
0x1: {  	s1 =	srdreg.scid  }
0x2: {  	s8 =	rddreg [dreg:$0x0];
	s0 =	stileid.u32  }
0x3: {  	s3 =	rddreg [dreg:$0x1];
	s2 =	simm.s32 $0x0;
	s6 =	sand.u32 $0x1, s1  }
0x4: {  	s4 =	sshll.u32 s0, $0x9;
	s1 =	rddreg [dreg:$0x2];
	s5 =	sshll.u32 s6, $0x8  }
0x5: {  	s7 =	simm.s32 $0x1;
	[smem:$0x7FF] =	sst s2;
	s9 =	sor.u32 s5, s4  }
0x6: {  	_ =	strace $0x80000047;
	s10 =	ssub.s32 $0x2, s6;
	s4 =	sshrl.u32 s9, $0x3  }
0x7: {  	s6 =	simm.s32 $0x100;
	s4 =	sadd.s32 s3, s4;
	s3 =	simm.s32 $0x2  }
0x8: {  	[tilespmem:s2], [sflag:$0x2] =	stream.linear.gather [hbm4b:s4+s2], $0x100, $0x38;
	[tilespmem:$0x8100] =	vst v63  }
0x9: {  	s5 =	sadd.s32 $0x81C00, s8;
	s11 =	sshrl.u32 s10, $0x1;
	_ =	swait.ge [sflag:s3], $0x100  }
0xa: {  	s9 =	sshll.u32 s9, $0x4;
	s31 =	ssub.s32 s10, s11;
	[sflag:s3] =	ssyncset.done $0x0  }
0xb: {  	s8 =	sadd.s32 s9, s8;
	s9 =	smax.u32 s31, $0x1;
	[sflag:s3] =	ssyncadd.s32 $0xFFFFFF00  }
0xc: {  	[tilespmem:s6], [sflag:$0x1] =	stream.indirect.gather [hbm4b:s5+s6], $0x80, s2, s6, $0xb8;
	[tilespmem:$0x8100] =	vst v63  }
0xd: {  	p0 =	sne.s32 s9, $0x1;
	_ =	swait.ge [sflag:s7], $0x8000  }
.Ltmp0:
0xe: {  	[sflag:s7] =	ssyncset.done $0x0;
	(pc) =	sbr.rel @!p0 .LBB2_2-.Ltmp0, $4  }
0xf: {  	s8 =	sadd.s32 $0x1C00, s8;
	[sflag:s7] =	ssyncadd.s32 $0xFFFF8000  }
0x10: {  	[hbm4b:s8+s2] =	stream.linear.scatter [tilespmem:s6], [sflag:$0x2], $0x8000, $0x38;
	[tilespmem:$0x8100] =	vst v63  }
0x11: {  	_ =	swait.ge [sflag:s3], $0x8000  }
0x12: {  	s9 =	sadd.s32 $0xFFFFFFFF, s9;
	[sflag:s3] =	ssyncset.done $0x0  }
.LBB2_1:
0x13: {  	p0 =	sne.s32 s9, $0x1;
	s9 =	sadd.s32 $0xFFFFFFFF, s9;
	[sflag:s3] =	ssyncadd.s32 $0xFFFF8000  }
0x14: {  	[tilespmem:s2], [sflag:$0x2] =	stream.linear.gather [hbm4b:s4+s2], $0x100, $0x38;
	[tilespmem:$0x8100] =	vst v63  }
0x15: {  	_ =	swait.ge [sflag:s3], $0x100  }
0x16: {  	[sflag:s3] =	ssyncset.done $0x0  }
0x17: {  	[sflag:s3] =	ssyncadd.s32 $0xFFFFFF00  }
0x18: {  	[tilespmem:s6], [sflag:$0x1] =	stream.indirect.gather [hbm4b:s5+s6], $0x80, s2, s6, $0xb8;
	[tilespmem:$0x8100] =	vst v63  }
0x19: {  	_ =	swait.ge [sflag:s7], $0x8000  }
.Ltmp1:
0x1a: {  	[sflag:s7] =	ssyncset.done $0x0;
	(pc) =	sbr.rel @p0 .LBB2_1-.Ltmp1, $4  }
0x1b: {  	[sflag:s7] =	ssyncadd.s32 $0xFFFF8000  }
0x1c: {  	[hbm4b:s8+s2] =	stream.linear.scatter [tilespmem:s6], [sflag:$0x2], $0x8000, $0x38;
	[tilespmem:$0x8100] =	vst v63  }
0x1d: {  	_ =	swait.ge [sflag:s3], $0x8000  }
0x1e: {  	[sflag:s3] =	ssyncset.done $0x0  }
.LBB2_2:
0x1f: {  	[sflag:s3] =	ssyncadd.s32 $0xFFFF8000  }
0x20: {  	_ =	sfence.sel $0x180000  }
0x21: {  	[bflag:$0x0] =	sbarrier.arrive $0xFFFF  }
0x22: {  	p0 =	sne.s32 s0, $0x0;
	_ =	strace $0x90000047  }
0x23: {  	s0 =	sadd.s32 @!p0 $0x100000, s1;
	[bflag:$0x2] =	sbarrier.arrive $0xFFFF  }
0x24: {  	[sflag:s0] =	ssyncadd.tile.s32 @!p0 $0x1;
	_ =	shalt  }
.Lfunc_end2:
_tile_overlayer_lowered:
.L_overlay_start_2:
0x25: {  	(tag) =	ssettag $0x2  }
0x26: {  	s0 =	rddreg [dreg:$0x0];
	s2 =	stileid.u32  }
0x27: {  	s1 =	rddreg [dreg:$0x1];
	p0 =	sne.s32 s2, $0x0  }
0x28: {  	s3 =	rddreg [dreg:$0x2];
	[bflag:$0x3] =	sbarrier.arrive $0xFFFF;
	s2 =	simm.s32 @!p0 $0x1C02  }
0x29: {  	[timem:s3], [sflag:s2] =	dma.local @!p0 [hbm:s0], s1  }
0x2a: {  	s0 =	simm.s32 @!p0 $0x2  }
0x2b: {  	_ =	swait.ge @!p0 [sflag:s0], s1  }
0x2c: {  	s1 =	ssub.s32 @!p0 $0x0, s1;
	[sflag:s0] =	ssyncset.done @!p0 $0x0  }
0x2d: {  	[sflag:s0] =	ssyncadd.s32 @!p0 s1  }
0x2e: {  	[bflag:$0x3] =	sbarrier.arrive $0xFFFF  }
0x2f: {  	_ =	shalt  }

// kernel: kernel.14.cloned.1.call-start
scs
__scs_entry_jumppad:
0x0: {  	(pc) =	sbr.rel $0x88, $3  }
0x1: {  	(tag) =	ssettag $0x0;
	lr =	simm.s32 $0x1  }
0x2: {  	[smem:$0x3F91] =	sst lr;
	_ =	strace $0xD0000000  }
0x3: {  	_ = 	snop  }
0x4: {  	_ = 	snop  }
0x5: {  	_ = 	snop  }
0x6: {  	_ = 	snop  }
0x7: {  	_ = 	snop  }
__scs_overlays_trampoline_lowered:
0x8: {  	[smem:$0x3FA0] =	sst s0  }
0x9: {  	[smem:$0x3FA1] =	sst s1  }
0xa: {  	[smem:$0x3FA2] =	sst s2  }
0xb: {  	[smem:$0x3FA3] =	sst s3  }
0xc: {  	[smem:$0x3FA4] =	sst s4  }
0xd: {  	[smem:$0x3FA5] =	sst s5  }
0xe: {  	[smem:$0x3FA6] =	sst s6  }
0xf: {  	[smem:$0x3FA7] =	sst s7  }
0x10: {  	[smem:$0x3FA8] =	sst s8  }
0x11: {  	[smem:$0x3FA9] =	sst s9;
	s0 =	simm.s32 @!p0 $0x0  }
0x12: {  	s1 =	sld [smem:$0x3F8F];
	s0 =	simm.s32 @p0 $0x1  }
0x13: {  	[smem:$0x3FAA] =	sst s0;
	s0 =	simm.s32 @!p1 $0x0  }
0x14: {  	s2 =	sld [smem:$0x3F8E];
	s0 =	simm.s32 @p1 $0x1  }
0x15: {  	[smem:$0x3FAB] =	sst s0;
	s0 =	simm.s32 @!p2 $0x0  }
0x16: {  	s3 =	sld [smem:$0x3FDB];
	s0 =	simm.s32 @p2 $0x1  }
0x17: {  	s4 =	simm.s32 $0x1BF5;
	[smem:$0x3FAD] =	sst s0  }
0x18: {  	s0 =	sld [smem:$0x3F90];
	_ =	swait.ge [sflag:s4], $0x0  }
0x19: {  	s7 =	sld [smem:$0x3F91]  }
0x1a: {  	s8 =	sadd.s32 $0xFFFFE003, lr  }
0x1b: {  	s9 =	sadd.s32 $0xFFFFFEF7, lr;
	s5 =	simm.s32 $0xFFFFFFFF;
	p2 =	slt.u32 s8, $0xFFFFF086  }
0x1c: {  	p1 =	slt.u32 s9, $0xF7A;
	s5 =	simm.s32 @!p2 $0x0  }
0x1d: {  	s5 =	simm.s32 @p1 $0x1;
	p0 =	seq.s32 s7, s2  }
0x1e: {  	s7 =	smul.u32 @!p0 $0xF7A, s2;
	p2 =	seq.s32 @!p0 s5, $0x0  }
0x1f: {  	s9 =	smul.u32 $0xF7A, s1;
	s8 =	simm.s32 @!p0 $0x1BF5;
	p2 =	por !p2, p0  }
0x20: {  	[sflag:s8] =	ssyncset.s32 @!p0 $0xFFFFF086;
	s6 =	sadd.s32 @!p0 s3, s7;
	s7 =	simm.s32 @!p0 $0x108  }
0x21: {  	s3 =	sadd.s32 s3, s9;
	s6 =	sadd.s32 @!p0 $0x88, s6;
	s7 =	simm.s32 @p2 $0x1082  }
0x22: {  	[simem:s7], [sflag:s8] =	dma.local @!p0 [hbm:s6], $0xF7A  }
0x23: {  	s9 =	sor.u32 $0xD0000000, s2;
	s6 =	simm.s32 $0x108;
	_ =	swait.ge @!p0 [sflag:s8], $0x0  }
0x24: {  	s3 =	sadd.s32 $0x88, s3;
	s6 =	simm.s32 @!p1 $0x1082;
	[sflag:s4] =	ssyncset.s32 $0xFFFFF086  }
0x25: {  	[simem:s6], [sflag:s4] =	dma.local [hbm:s3], $0xF7A  }
0x26: {  	[smem:$0x3F91] =	sst s1;
	(tag) =	ssettag s2;
	_ =	strace s9  }
0x27: {  	s1 =	sld [smem:$0x3FA1]  }
0x28: {  	s2 =	sld [smem:$0x3FA2]  }
0x29: {  	s4 =	sld [smem:$0x3FA4]  }
0x2a: {  	p0 =	seq.s32 s5, $0x0;
	s5 =	sld [smem:$0x3FA5]  }
0x2b: {  	s6 =	sld [smem:$0x3FA6]  }
0x2c: {  	s7 =	sld [smem:$0x3FA7]  }
0x2d: {  	s3 =	simm.s32 $0x108;
	s8 =	sld [smem:$0x3FA8]  }
0x2e: {  	s3 =	simm.s32 @!p0 $0x1082;
	s9 =	sld [smem:$0x3FA9]  }
0x2f: {  	lr =	sadd.s32 s0, s3;
	s0 =	sld [smem:$0x3FA0]  }
0x30: {  	s3 =	sld [smem:$0x3FA3]  }
0x31: {  	[smem:$0x3FAC] =	sst s10  }
0x32: {  	s10 =	sld [smem:$0x3FAA];
	_ =	sdelay $0x3  }
0x33: {  	p0 =	seq.s32 s10, $0x1;
	s10 =	sld [smem:$0x3FAC];
	_ =	sdelay $0x3  }
0x34: {  	[smem:$0x3FAC] =	sst s10  }
0x35: {  	s10 =	sld [smem:$0x3FAB];
	_ =	sdelay $0x3  }
0x36: {  	p1 =	seq.s32 s10, $0x1;
	s10 =	sld [smem:$0x3FAC];
	_ =	sdelay $0x3  }
0x37: {  	[smem:$0x3FAC] =	sst s10  }
0x38: {  	s10 =	sld [smem:$0x3FAD]  }
0x39: {  	_ = 	snop;
	(pc) =	sbr.ind lr, $3  }
0x3a: {  	_ = 	snop  }
0x3b: {  	_ = 	snop  }
0x3c: {  	p2 =	seq.s32 s10, $0x1;
	s10 =	sld [smem:$0x3FAC]  }
0x3d: {  	_ =	shalt  }
0x3e: {  	_ =	shalt  }
0x3f: {  	_ =	shalt  }
0x40: {  	_ =	shalt  }
0x41: {  	_ =	shalt  }
0x42: {  	_ =	shalt  }
0x43: {  	_ =	shalt  }
0x44: {  	_ =	shalt  }
0x45: {  	_ =	shalt  }
0x46: {  	_ =	shalt  }
0x47: {  	_ =	shalt  }
0x48: {  	_ =	shalt  }
0x49: {  	_ =	shalt  }
0x4a: {  	_ =	shalt  }
0x4b: {  	_ =	shalt  }
0x4c: {  	_ =	shalt  }
0x4d: {  	_ =	shalt  }
0x4e: {  	_ =	shalt  }
0x4f: {  	_ =	shalt  }
0x50: {  	_ =	shalt  }
0x51: {  	_ =	shalt  }
0x52: {  	_ =	shalt  }
0x53: {  	_ =	shalt  }
0x54: {  	_ =	shalt  }
0x55: {  	_ =	shalt  }
0x56: {  	_ =	shalt  }
0x57: {  	_ =	shalt  }
0x58: {  	_ =	shalt  }
0x59: {  	_ =	shalt  }
0x5a: {  	_ =	shalt  }
0x5b: {  	_ =	shalt  }
0x5c: {  	_ =	shalt  }
0x5d: {  	_ =	shalt  }
0x5e: {  	_ =	shalt  }
0x5f: {  	_ =	shalt  }
0x60: {  	_ =	shalt  }
0x61: {  	_ =	shalt  }
0x62: {  	_ =	shalt  }
0x63: {  	_ =	shalt  }
0x64: {  	_ =	shalt  }
0x65: {  	_ =	shalt  }
0x66: {  	_ =	shalt  }
0x67: {  	_ =	shalt  }
0x68: {  	_ =	shalt  }
0x69: {  	_ =	shalt  }
0x6a: {  	_ =	shalt  }
0x6b: {  	_ =	shalt  }
0x6c: {  	_ =	shalt  }
0x6d: {  	_ =	shalt  }
0x6e: {  	_ =	shalt  }
0x6f: {  	_ =	shalt  }
0x70: {  	_ =	shalt  }
0x71: {  	_ =	shalt  }
0x72: {  	_ =	shalt  }
0x73: {  	_ =	shalt  }
0x74: {  	_ =	shalt  }
0x75: {  	_ =	shalt  }
0x76: {  	_ =	shalt  }
0x77: {  	_ =	shalt  }
0x78: {  	_ =	shalt  }
0x79: {  	_ =	shalt  }
0x7a: {  	_ =	shalt  }
0x7b: {  	_ =	shalt  }
0x7c: {  	_ =	shalt  }
0x7d: {  	_ =	shalt  }
0x7e: {  	_ =	shalt  }
0x7f: {  	_ =	shalt  }
0x80: {  	_ =	shalt  }
0x81: {  	_ =	shalt  }
0x82: {  	_ =	shalt  }
0x83: {  	_ =	shalt  }
0x84: {  	_ =	shalt  }
0x85: {  	_ =	shalt  }
0x86: {  	_ =	shalt  }
0x87: {  	_ =	shalt  }
.Lfunc_end0:
.L_simem_size_0:
called_computation.1_lowered:
.L_overlay_start_0:
0x88: {  	s2 =	sld [smem:$0x3FD9]  }
0x89: {  	s3 =	sld [smem:$0x3FFE];
	_ =	sdelay $0x1  }
0x8a: {  	s1 =	srdreg.scid  }
0x8b: {  	s0 =	sand.u32 $0x1, s1  }
0x8c: {  	s14 =	sshll.u32 s0, $0xA;
	s2 =	sadd.s32 s3, s2  }
0x8d: {  	s2 =	sadd.s32 s2, s14  }
0x8e: {  	[smem:$0x3FB8] =	sst s2  }
0x8f: {  	_ = 	snop  }
0x90: {  	s2 =	sld [smem:$0x3FD0];
	_ =	sdelay $0x2  }
0x91: {  	s15 =	simm.s32 $0xA;
	s4 =	simm.s32 $0x10  }
0x92: {  	[smem:s4], [sflag:s15] =	dma.local [hbm:s2], $0x1  }
0x93: {  	_ =	swait.eq [sflag:s15], $0x1  }
0x94: {  	[sflag:s15] =	ssyncset.done $0x0  }
0x95: {  	[sflag:s15] =	ssyncadd.s32 $0xFFFFFFFF  }
0x96: {  	s16 =	sld [smem:$0x11];
	(tm) =	ssettm $0x1  }
0x97: {  	s17 =	sld [smem:$0x3FFB];
	_ =	sdelay $0x3  }
0x98: {  	_ =	strace s17  }
0x99: {  	s3 =	sld [smem:$0x3FFC];
	_ =	sdelay $0x3  }
0x9a: {  	_ =	strace s3  }
0x9b: {  	s3 =	sld [smem:$0x3FFD];
	_ =	sdelay $0x3  }
0x9c: {  	_ =	strace s3  }
0x9d: {  	_ =	strace $0x8FFFFFFF  }
0x9e: {  	s18 =	sld [smem:$0x3FDB];
	_ =	sdelay $0x1  }
0x9f: {  	s19 =	simm.s32 $_scs_section_size  }
0xa0: {  	s5 =	simm.s32 $_size__tile_overlayer_lowered;
	s6 =	simm.s32 $_tile_overlayer_lowered  }
0xa1: {  	s22 =	simm.s32 $0x1BFF;
	s21 =	sshll.u32 s6, $0x1;
	s3 =	sadd.s32 s19, s18  }
0xa2: {  	s7 =	simm.s32 $0x0;
	s20 =	sshll.u32 s5, $0x1;
	s5 =	sadd.s32 s21, s3  }
0xa3: {  	[timem:s7], [sflag:s22] =	dma.local [hbm:s5], s20  }
0xa4: {  	_ =	swait.ge [sflag:s22], s20  }
0xa5: {  	s4 =	ssub.s32 $0x0, s20;
	[sflag:s22] =	ssyncset.done $0x0  }
0xa6: {  	[sflag:s22] =	ssyncadd.s32 s4;
	_ =	sdelay $0x1  }
0xa7: {  	s23 =	simm.s32 $0x1B8B  }
0xa8: {  	_ =	swait.ge [sflag:s23], $0x1  }
0xa9: {  	[sflag:s23] =	ssyncset.done $0x0  }
0xaa: {  	s25 =	simm.s32 $0x1B8E;
	s24 =	sld [smem:$0x3FFE];
	[sflag:s23] =	ssyncadd.s32 $0xFFFFFFFF  }
0xab: {  	s26 =	simm.s32 $execute0_lowered;
	[smem:$0x3FD2] =	sst s25  }
0xac: {  	s5 =	sshll.u32 s26, $0x1;
	_ =	strace $0x80000049;
	[dreg:$0x1] =	wrdreg $0xFFFFFFFF  }
0xad: {  	s28 =	simm.s32 $_size_execute0_lowered;
	s3 =	sadd.s32 s3, s5;
	[dreg:$0x0] =	wrdreg $0x0  }
0xae: {  	s5 =	sshll.u32 s28, $0x1;
	[dreg:$0x2] =	wrdreg s3  }
0xaf: {  	[dreg:$0x3] =	wrdreg s5  }
0xb0: {  	[dreg:$0x4] =	wrdreg $0xC0  }
0xb1: {  	_ =	task [dreg:s7], $0x5FFFF  }
0xb2: {  	[dreg:$0x1] =	wrdreg $0xFFFFFFFF  }
0xb3: {  	[dreg:$0x0] =	wrdreg $0x60  }
0xb4: {  	[dreg:$0x2] =	wrdreg s24  }
0xb5: {  	[dreg:$0x3] =	wrdreg s16  }
0xb6: {  	[dreg:$0x4] =	wrdreg $0x9  }
0xb7: {  	_ =	task.clear_ibuf [dreg:s7], $0x5FFFF;
	_ =	strace $0x90000049  }
0xb8: {  	s29 =	simm.s32 $0x9;
	_ =	strace $0x8000004B  }
0xb9: {  	_ =	swait.ge [sflag:s29], $0x1  }
0xba: {  	[sflag:s29] =	ssyncadd.s32 $0xFFFFFFFF  }
0xbb: {  	_ =	strace $0x9000004B  }
0xbc: {  	_ =	sfence  }
0xbd: {  	s30 =	sld [smem:$0x0];
	_ =	sdelay $0x2  }
0xbe: {  	s31 =	sshll.u32 s1, $0xD;
	s1 =	sshrl.u32 s1, $0x2  }
0xbf: {  	s3 =	sand.u32 $0x4000, s31;
	s1 =	sadd.s32 s1, s30  }
0xc0: {  	s0 =	sor.u32 s3, s0;
	s1 =	sshll.u32 s1, $0x11  }
0xc1: {  	s0 =	sor.u32 s1, s0  }
0xc2: {  	s0 =	sadd.s32 $0x8F2B, s0  }
0xc3: {  	[sflag:s0] =	ssyncadd.remote.s32 $0x1  }
0xc4: {  	_ =	sfence.sel $0xFFFF  }
0xc5: {  	[dreg:$0x0] =	wrdreg $0xFFFFFFFF;
	(pc) =	sbr.abs _section_cstart, $3  }
0xc6: {  	[dreg:$0x1] =	wrdreg $0xFFFFFFFF  }
0xc7: {  	_ =	task.clear_ibuf [dreg:s7], $0x2FFFF;
	_ =	strace $0x9FFFFFFF  }
0xc8: {  	(tm) =	ssettm $0x7FFFFFFF  }
0xc9: {  	_ =	shalt  }
tec
execute0_lowered:
.L_overlay_start_1:
0x0: {  	(tag) =	ssettag $0x1  }
0x1: {  	s4 =	rddreg [dreg:$0x0]  }
0x2: {  	s6 =	rddreg [dreg:$0x1]  }
0x3: {  	s0 =	rddreg [dreg:$0x2];
	s2 =	simm.s32 $0x0;
	s1 =	stileid.u32  }
0x4: {  	s3 =	srdreg.scid;
	[smem:$0x7FF] =	sst s2  }
0x5: {  	s5 =	sshll.u32 s1, $0x12;
	s7 =	sand.u32 $0x1, s3;
	s3 =	sadd.s32 $0x81C00, s4  }
0x6: {  	s9 =	sshll.u32 s1, $0xE;
	_ =	strace $0x8000004A;
	s5 =	sadd.s32 s5, s4  }
0x7: {  	s29 =	ssub.s32 $0x2, s7;
	s10 =	sshll.u32 s7, $0xD;
	s7 =	sshll.u32 s7, $0x11  }
0x8: {  	s8 =	sshrl.u32 s29, $0x1;
	s30 =	sor.u32 s10, s9;
	s5 =	sadd.s32 s7, s5  }
0x9: {  	s7 =	simm.s32 $0x2;
	s9 =	simm.s32 $0x1;
	s10 =	simm.s32 $0x0  }
0xa: {  	s4 =	ssub.s32 s29, s8;
	s31 =	sshrl.u32 s30, $0x3;
	s5 =	sadd.s32 $0x101C00, s5  }
0xb: {  	s8 =	simm.s32 $0x200;
	s4 =	smax.u32 s4, $0x1;
	s6 =	sadd.s32 s31, s6  }
.LBB2_1:
0xc: {  	s11 =	sadd.s32 $0x0, s6  }
0xd: {  	[tilespmem:s2], [sflag:$0x2] =	stream.linear.gather [hbm4b:s11+s2], $0x200, $0x38;
	[tilespmem:$0x10200] =	vst v63  }
0xe: {  	_ =	swait.ge [sflag:s7], $0x200  }
0xf: {  	[sflag:s7] =	ssyncset.done $0x0  }
0x10: {  	[sflag:s7] =	ssyncadd.s32 $0xFFFFFE00  }
0x11: {  	[tilespmem:s8], [sflag:$0x1] =	stream.indirect.gather [hbm4b:s3+s8], $0x80, s2, s8, $0xb8;
	[tilespmem:$0x10200] =	vst v63  }
0x12: {  	_ =	swait.ge [sflag:s9], $0x10000  }
0x13: {  	[sflag:s9] =	ssyncset.done $0x0  }
0x14: {  	[sflag:s9] =	ssyncadd.s32 $0xFFFF0000  }
0x15: {  	[hbm4b:s5+s2] =	stream.linear.scatter [tilespmem:s8], [sflag:$0x2], $0x10000, $0x38;
	[tilespmem:$0x10200] =	vst v63  }
0x16: {  	s12 =	simm.s32 $0x40;
	_ =	swait.ge [sflag:s7], $0x10000  }
0x17: {  	s13 =	simm.s32 $0x80;
	s11 =	sadd.s32 $0x2000, s5;
	[sflag:s7] =	ssyncset.done $0x0  }
.LBB2_2:
0x18: {  	s14 =	sadd.s32 s12, s6  }
0x19: {  	[sflag:s7] =	ssyncadd.s32 $0xFFFF0000;
	s12 =	smov.u32 s13;
	s15 =	sadd.s32 $0x40, s13  }
0x1a: {  	[tilespmem:s2], [sflag:$0x2] =	stream.linear.gather [hbm4b:s14+s2], $0x200, $0x38;
	[tilespmem:$0x10200] =	vst v63  }
0x1b: {  	p0 =	sne.s32 s13, $0x3C0;
	_ =	swait.ge [sflag:s7], $0x200  }
0x1c: {  	[sflag:s7] =	ssyncset.done $0x0  }
0x1d: {  	[sflag:s7] =	ssyncadd.s32 $0xFFFFFE00  }
0x1e: {  	[tilespmem:s8], [sflag:$0x1] =	stream.indirect.gather [hbm4b:s3+s8], $0x80, s2, s8, $0xb8;
	[tilespmem:$0x10200] =	vst v63  }
0x1f: {  	_ =	swait.ge [sflag:s9], $0x10000  }
.Ltmp0:
0x20: {  	[sflag:s9] =	ssyncset.done $0x0;
	(pc) =	sbr.rel @p0 .LBB2_2-.Ltmp0, $4  }
0x21: {  	[sflag:s9] =	ssyncadd.s32 $0xFFFF0000  }
0x22: {  	[hbm4b:s11+s2] =	stream.linear.scatter [tilespmem:s8], [sflag:$0x2], $0x10000, $0x38;
	[tilespmem:$0x10200] =	vst v63  }
0x23: {  	_ =	swait.ge [sflag:s7], $0x10000  }
0x24: {  	s13 =	smov.u32 s15;
	s11 =	sadd.s32 $0x2000, s11;
	[sflag:s7] =	ssyncset.done $0x0  }
0x25: {  	s12 =	sadd.s32 s12, s6;
	[sflag:s7] =	ssyncadd.s32 $0xFFFF0000  }
0x26: {  	[tilespmem:s2], [sflag:$0x2] =	stream.linear.gather [hbm4b:s12+s2], $0x200, $0x38;
	[tilespmem:$0x10200] =	vst v63  }
0x27: {  	_ =	swait.ge [sflag:s7], $0x200  }
0x28: {  	[sflag:s7] =	ssyncset.done $0x0  }
0x29: {  	[sflag:s7] =	ssyncadd.s32 $0xFFFFFE00  }
0x2a: {  	[tilespmem:s8], [sflag:$0x1] =	stream.indirect.gather [hbm4b:s3+s8], $0x80, s2, s8, $0xb8;
	[tilespmem:$0x10200] =	vst v63  }
0x2b: {  	s10 =	sadd.s32 $0x1, s10;
	_ =	swait.ge [sflag:s9], $0x10000  }
0x2c: {  	p0 =	sne.s32 s10, s4;
	[sflag:s9] =	ssyncset.done $0x0  }
.Ltmp1:
0x2d: {  	[sflag:s9] =	ssyncadd.s32 $0xFFFF0000;
	(pc) =	sbr.rel @p0 .LBB2_1-.Ltmp1, $4  }
0x2e: {  	[hbm4b:s11+s2] =	stream.linear.scatter [tilespmem:s8], [sflag:$0x2], $0x10000, $0x38;
	[tilespmem:$0x10200] =	vst v63  }
0x2f: {  	_ =	swait.ge [sflag:s7], $0x10000  }
0x30: {  	[sflag:s7] =	ssyncset.done $0x0  }
0x31: {  	[sflag:s7] =	ssyncadd.s32 $0xFFFF0000  }
0x32: {  	_ =	sfence.sel $0x180000  }
0x33: {  	[bflag:$0x0] =	sbarrier.arrive $0xFFFF  }
0x34: {  	p0 =	sne.s32 s1, $0x0;
	_ =	strace $0x9000004A  }
0x35: {  	s0 =	sadd.s32 @!p0 $0x100000, s0;
	[bflag:$0x2] =	sbarrier.arrive $0xFFFF  }
0x36: {  	[sflag:s0] =	ssyncadd.tile.s32 @!p0 $0x1;
	_ =	shalt  }
.Lfunc_end2:
_tile_overlayer_lowered:
.L_overlay_start_2:
0x37: {  	(tag) =	ssettag $0x2  }
0x38: {  	s0 =	rddreg [dreg:$0x0];
	s2 =	stileid.u32  }
0x39: {  	s1 =	rddreg [dreg:$0x1];
	p0 =	sne.s32 s2, $0x0  }
0x3a: {  	s3 =	rddreg [dreg:$0x2];
	[bflag:$0x3] =	sbarrier.arrive $0xFFFF;
	s2 =	simm.s32 @!p0 $0x1C02  }
0x3b: {  	[timem:s3], [sflag:s2] =	dma.local @!p0 [hbm:s0], s1  }
0x3c: {  	s0 =	simm.s32 @!p0 $0x2  }
0x3d: {  	_ =	swait.ge @!p0 [sflag:s0], s1  }
0x3e: {  	s1 =	ssub.s32 @!p0 $0x0, s1;
	[sflag:s0] =	ssyncset.done @!p0 $0x0  }
0x3f: {  	[sflag:s0] =	ssyncadd.s32 @!p0 s1  }
0x40: {  	[bflag:$0x3] =	sbarrier.arrive $0xFFFF  }
0x41: {  	_ =	shalt  }

</sc_bundles>
